<compile_context>
chip_gen: v7x
topology: tpu7x:2x2x1
jax: 0.10.2.dev20260603
libtpu: 0.0.44.dev20260713+nightly
codegen_flags: <defaults>
</compile_context>

<pallas_src>
import jax
import jax.numpy as jnp
from jax import lax
from jax.experimental import pallas as pl
from jax.experimental.pallas import tpu as pltpu
from jax.experimental.pallas import tpu_sc as plsc

DEPTH = 64
MAX_LENGTH = 200
BATCH = 4096
SEQ = 200

NUM_CORES = 2
NUM_SUBCORES = 16
NUM_WORKERS = NUM_CORES * NUM_SUBCORES

BPW = BATCH // NUM_WORKERS
NBUF = 4


def _positional_encodings(depth: int, max_length: int) -> jnp.ndarray:
    positions = jnp.arange(max_length, dtype=jnp.float32)[:, None]
    idx = jnp.arange(depth)[None, :]
    power = (2 * (idx // 2)).astype(jnp.float32) / jnp.float32(depth)
    angles = 1.0 / jnp.power(10000.0, power)
    radians = positions * angles
    sin = jnp.sin(radians[:, 0::2])
    cos = jnp.cos(radians[:, 1::2])
    return jnp.concatenate([sin, cos], axis=-1)


def _body(idx4_hbm, table_hbm, enc_hbm, out_hbm,
          idx_v, enc_v, g0, g1, g2, g3, t0, t1, t2, t3,
          gs0, gs1, gs2, gs3, os0, os1, os2, os3):
    wid = lax.axis_index("s") * NUM_CORES + lax.axis_index("c")

    pltpu.sync_copy(idx4_hbm.at[:, wid, :, :], idx_v)
    pltpu.sync_copy(enc_hbm, enc_v)

    gbufs = (g0, g1, g2, g3)
    tbufs = (t0, t1, t2, t3)
    gsems = (gs0, gs1, gs2, gs3)
    osems = (os0, os1, os2, os3)

    def gather_desc(s, buf, sem):
        return pltpu.make_async_copy(
            table_hbm.at[idx_v.at[s // 8, s % 8]], buf, sem)

    def out_desc(s, buf, sem):
        return pltpu.make_async_copy(
            buf.at[:, :, pl.ds(0, BPW)], out_hbm.at[s, :, wid, :, :], sem)

    lane = jax.lax.iota(jnp.int32, 16)
    sub8 = lane // 8
    rem8 = lane % 8
    scale = jnp.float32(8.0)

    def compute(s, gbuf, tbuf):
        encs = [enc_v[s, pl.ds(k * 16, 16)] for k in range(DEPTH // 16)]
        dgv = [k * 2 + sub8 for k in range(DEPTH // 16)]

        @plsc.parallel_loop(0, BPW, 1, unroll=4)
        def _(bl):
            blv = jnp.zeros((16,), jnp.int32) + bl
            for k in range(DEPTH // 16):
                g = gbuf[bl, pl.ds(k * 16, 16)]
                plsc.store_scatter(tbuf, [dgv[k], rem8, blv],
                                   g * scale + encs[k])

        return None

    for b in range(NBUF):
        gather_desc(b, gbufs[b], gsems[b]).start()

    def outer(i, carry):
        for b in range(NBUF):
            s = i * NBUF + b
            gather_desc(s, gbufs[b], gsems[b]).wait()

            @pl.when(s >= NBUF)
            def _():
                out_desc(0, tbufs[b], osems[b]).wait()

            compute(s, gbufs[b], tbufs[b])

            @pl.when(s + NBUF < SEQ)
            def _():
                gather_desc(s + NBUF, gbufs[b], gsems[b]).start()

            out_desc(s, tbufs[b], osems[b]).start()
        return carry

    lax.fori_loop(0, SEQ // NBUF, outer, 0)

    for b in range(NBUF):
        out_desc(0, tbufs[b], osems[b]).wait()


def _embed(idxt, table, enc):
    run = pl.kernel(
        _body,
        out_type=jax.ShapeDtypeStruct(
            (SEQ, DEPTH // 8, NUM_WORKERS, 8, BPW), jnp.float32),
        mesh=plsc.VectorSubcoreMesh(core_axis_name="c", subcore_axis_name="s",
                                    num_cores=NUM_CORES,
                                    num_subcores=NUM_SUBCORES),
        scratch_types=[
            pltpu.VMEM((SEQ // 8, 8, BPW), jnp.int32),
            pltpu.VMEM((MAX_LENGTH, DEPTH), jnp.float32),
        ] + [pltpu.VMEM((BPW, DEPTH), jnp.float32)] * NBUF
          + [pltpu.VMEM((DEPTH // 8, 8, BPW + 1), jnp.float32)] * NBUF
          + [pltpu.SemaphoreType.DMA] * (2 * NBUF),
        compiler_params=pltpu.CompilerParams(use_tc_tiling_on_sc=False,
                                             needs_layout_passes=False),
    )
    return run(idxt, table, enc)


def kernel(inputs, table):
    idx4 = (inputs.astype(jnp.int32).T
            .reshape(SEQ // 8, 8, NUM_WORKERS, BPW)
            .transpose(0, 2, 1, 3))
    enc = _positional_encodings(DEPTH, MAX_LENGTH)
    out5 = _embed(idx4, table, enc)
    return (out5.transpose(2, 4, 0, 1, 3)
                .reshape(BATCH, SEQ, DEPTH))

# --- scband reference (transcript-rebuilt; emitter-appended) ---
"""Pipeline reference for scband-embeddings-68702296867304 (READ-ONLY COPY).

The authoritative reference and input builder live on the scoring server;
editing this copy changes nothing except your own understanding.
"""

import jax, jax.numpy as jnp
import numpy as np

DEPTH = 64
MAX_LENGTH = 200
INPUT_DIM = 100000
BATCH = 4096
SEQ = 200


def _pos_encodings(depth: int, max_length: int) -> jnp.ndarray:
    positions = jnp.arange(max_length, dtype=jnp.float32)[:, None]
    idx = jnp.arange(depth)[None, :]
    power = (2 * (idx // 2)).astype(jnp.float32) / jnp.float32(depth)
    angles = 1.0 / jnp.power(10000.0, power)
    radians = positions * angles
    sin = jnp.sin(radians[:, 0::2])
    cos = jnp.cos(radians[:, 1::2])
    return jnp.concatenate([sin, cos], axis=-1)


def setup_inputs(seed: int = 0) -> dict:
    key = jax.random.key(seed)
    k1, k2 = jax.random.split(key)
    inputs = jax.random.randint(k1, (BATCH, SEQ), 0, INPUT_DIM, dtype=jnp.int64)
    table = jax.random.normal(k2, (INPUT_DIM, DEPTH), dtype=jnp.float32)
    return {"inputs": inputs, "table": table}


def reference(inputs, table):
    # Embedding lookup (mask_zero does not change forward values)
    x = jnp.take(table, inputs, axis=0)  # [B, S, depth]
    # Encodings layer: scale by sqrt(depth), add positional encodings
    scale = jnp.sqrt(jnp.float32(DEPTH))
    x = x * scale
    enc = _pos_encodings(DEPTH, MAX_LENGTH)
    x = x + enc[None, : x.shape[1], :]
    return x

if __name__ == "__main__":
    import jax
    _d = setup_inputs()
    print(jax.jit(kernel)(*tuple(_d.values())))

</pallas_src>

<mosaic_0001>
#map = affine_map<(d0, d1) -> (0, 0, 0, 0)>
#map1 = affine_map<(d0, d1) -> (0, 0)>
#map2 = affine_map<(d0, d1) -> (0, 0, 0, 0, 0)>
module attributes {stable_mosaic.version = 14 : i64} {
  func.func @_body(%arg0: i32, %arg1: i32, %arg2: memref<25x32x8x128xi32, #tpu.memory_space<hbm>>, %arg3: memref<100000x64xf32, #tpu.memory_space<hbm>>, %arg4: memref<200x64xf32, #tpu.memory_space<hbm>>, %arg5: memref<200x8x32x8x128xf32, #tpu.memory_space<hbm>>, %arg6: memref<25x8x128xi32, #tpu.memory_space<vmem>>, %arg7: memref<200x64xf32, #tpu.memory_space<vmem>>, %arg8: memref<128x64xf32, #tpu.memory_space<vmem>>, %arg9: memref<128x64xf32, #tpu.memory_space<vmem>>, %arg10: memref<128x64xf32, #tpu.memory_space<vmem>>, %arg11: memref<128x64xf32, #tpu.memory_space<vmem>>, %arg12: memref<8x8x129xf32, #tpu.memory_space<vmem>>, %arg13: memref<8x8x129xf32, #tpu.memory_space<vmem>>, %arg14: memref<8x8x129xf32, #tpu.memory_space<vmem>>, %arg15: memref<8x8x129xf32, #tpu.memory_space<vmem>>, %arg16: memref<!tpu.dma_semaphore, #tpu.memory_space<semaphore_mem>>, %arg17: memref<!tpu.dma_semaphore, #tpu.memory_space<semaphore_mem>>, %arg18: memref<!tpu.dma_semaphore, #tpu.memory_space<semaphore_mem>>, %arg19: memref<!tpu.dma_semaphore, #tpu.memory_space<semaphore_mem>>, %arg20: memref<!tpu.dma_semaphore, #tpu.memory_space<semaphore_mem>>, %arg21: memref<!tpu.dma_semaphore, #tpu.memory_space<semaphore_mem>>, %arg22: memref<!tpu.dma_semaphore, #tpu.memory_space<semaphore_mem>>, %arg23: memref<!tpu.dma_semaphore, #tpu.memory_space<semaphore_mem>>) attributes {dimension_semantics = [#tpu.dimension_semantics<core_parallel>, #tpu.dimension_semantics<subcore_parallel>], iteration_bounds = array<i64: 2, 16>, scalar_prefetch = 0 : i64, scratch_operands = 18 : i64, tpu.core_type = #tpu.core_type<sc_vector_subcore>, window_params = [{transform_indices = #map}, {transform_indices = #map1}, {transform_indices = #map1}, {transform_indices = #map2}]} {
    %mul3A = arith.constant 2 : i32
    %mul3A_0 = arith.muli %arg1, %mul3A : i32
    %add3A = arith.addi %mul3A_0, %arg0 : i32
    "tpu.region"() ({
      %run_scoped3A = tpu.sem_alloc : memref<!tpu.dma_semaphore, #tpu.memory_space<semaphore_mem>>
      %dma_start3A_156 = arith.constant 0 : i32
      %dma_start3A_157 = arith.constant 0 : i32
      %dma_start3A_158 = arith.constant 0 : i32
      %dma_start3A_159 = tpu.memref_slice %arg2[%dma_start3A_156, %add3A, %dma_start3A_157, %dma_start3A_158] : memref<25x32x8x128xi32, #tpu.memory_space<hbm>> -> memref<25x1x8x128xi32, #tpu.memory_space<hbm>>
      %dma_start3A_160 = tpu.memref_squeeze %dma_start3A_159 : memref<25x1x8x128xi32, #tpu.memory_space<hbm>> -> memref<25x8x128xi32, #tpu.memory_space<hbm>>
      %dma_start3A_161 = arith.constant 0 : i32
      %dma_start3A_162 = arith.constant 0 : i32
      %dma_start3A_163 = arith.constant 0 : i32
      %dma_start3A_164 = tpu.memref_slice %arg2[%dma_start3A_161, %add3A, %dma_start3A_162, %dma_start3A_163] : memref<25x32x8x128xi32, #tpu.memory_space<hbm>> -> memref<25x1x8x128xi32, #tpu.memory_space<hbm>>
      %dma_start3A_165 = tpu.memref_squeeze %dma_start3A_164 : memref<25x1x8x128xi32, #tpu.memory_space<hbm>> -> memref<25x8x128xi32, #tpu.memory_space<hbm>>
      tpu.enqueue_dma source(%dma_start3A_165 : memref<25x8x128xi32, #tpu.memory_space<hbm>>) target(%arg6 : memref<25x8x128xi32, #tpu.memory_space<vmem>>) target_semaphore(%run_scoped3A : memref<!tpu.dma_semaphore, #tpu.memory_space<semaphore_mem>>)
      %dma_wait3A_166 = arith.constant 0 : i32
      %dma_wait3A_167 = arith.constant 0 : i32
      %dma_wait3A_168 = arith.constant 0 : i32
      %dma_wait3A_169 = tpu.memref_slice %arg2[%dma_wait3A_166, %add3A, %dma_wait3A_167, %dma_wait3A_168] : memref<25x32x8x128xi32, #tpu.memory_space<hbm>> -> memref<25x1x8x128xi32, #tpu.memory_space<hbm>>
      %dma_wait3A_170 = tpu.memref_squeeze %dma_wait3A_169 : memref<25x1x8x128xi32, #tpu.memory_space<hbm>> -> memref<25x8x128xi32, #tpu.memory_space<hbm>>
      %dma_wait3A_171 = arith.constant 0 : i32
      %dma_wait3A_172 = arith.constant 0 : i32
      %dma_wait3A_173 = arith.constant 0 : i32
      %dma_wait3A_174 = tpu.memref_slice %arg2[%dma_wait3A_171, %add3A, %dma_wait3A_172, %dma_wait3A_173] : memref<25x32x8x128xi32, #tpu.memory_space<hbm>> -> memref<25x1x8x128xi32, #tpu.memory_space<hbm>>
      %dma_wait3A_175 = tpu.memref_squeeze %dma_wait3A_174 : memref<25x1x8x128xi32, #tpu.memory_space<hbm>> -> memref<25x8x128xi32, #tpu.memory_space<hbm>>
      tpu.wait_dma2 semaphore(%run_scoped3A : memref<!tpu.dma_semaphore, #tpu.memory_space<semaphore_mem>>) src(%dma_wait3A_175 : memref<25x8x128xi32, #tpu.memory_space<hbm>>) dst(%arg6 : memref<25x8x128xi32, #tpu.memory_space<vmem>>)
      tpu.yield
    }) : () -> ()
    "tpu.region"() ({
      %run_scoped3A = tpu.sem_alloc : memref<!tpu.dma_semaphore, #tpu.memory_space<semaphore_mem>>
      tpu.enqueue_dma source(%arg4 : memref<200x64xf32, #tpu.memory_space<hbm>>) target(%arg7 : memref<200x64xf32, #tpu.memory_space<vmem>>) target_semaphore(%run_scoped3A : memref<!tpu.dma_semaphore, #tpu.memory_space<semaphore_mem>>)
      tpu.wait_dma2 semaphore(%run_scoped3A : memref<!tpu.dma_semaphore, #tpu.memory_space<semaphore_mem>>) src(%arg4 : memref<200x64xf32, #tpu.memory_space<hbm>>) dst(%arg7 : memref<200x64xf32, #tpu.memory_space<vmem>>)
      tpu.yield
    }) : () -> ()
    %iota3A = tpu.iota {dimensions = array<i32: 0>} : vector<16xi32>
    %jit3A = arith.constant 8 : i32
    %div3A = vector.broadcast %jit3A : i32 to vector<16xi32>
    %div3A_1 = arith.divsi %iota3A, %div3A : vector<16xi32>
    %sign3A = arith.constant 0 : i32
    %sign3A_2 = vector.broadcast %sign3A : i32 to vector<16xi32>
    %sign3A_3 = arith.cmpi sgt, %iota3A, %sign3A_2 : vector<16xi32>
    %sign3A_4 = arith.extui %sign3A_3 : vector<16xi1> to vector<16xi32>
    %sign3A_5 = arith.constant 0 : i32
    %sign3A_6 = vector.broadcast %sign3A_5 : i32 to vector<16xi32>
    %sign3A_7 = arith.cmpi slt, %iota3A, %sign3A_6 : vector<16xi32>
    %sign3A_8 = arith.extui %sign3A_7 : vector<16xi1> to vector<16xi32>
    %sign3A_9 = arith.subi %sign3A_4, %sign3A_8 : vector<16xi32>
    %sign3A_10 = arith.constant 0 : i32
    %sign3A_11 = arith.cmpi sgt, %jit3A, %sign3A_10 : i32
    %sign3A_12 = arith.extui %sign3A_11 : i1 to i32
    %sign3A_13 = arith.constant 0 : i32
    %sign3A_14 = arith.cmpi slt, %jit3A, %sign3A_13 : i32
    %sign3A_15 = arith.extui %sign3A_14 : i1 to i32
    %sign3A_16 = arith.subi %sign3A_12, %sign3A_15 : i32
    %ne3A = vector.broadcast %sign3A_16 : i32 to vector<16xi32>
    %ne3A_17 = arith.cmpi ne, %sign3A_9, %ne3A : vector<16xi32>
    %rem3A = vector.broadcast %jit3A : i32 to vector<16xi32>
    %rem3A_18 = arith.remsi %iota3A, %rem3A : vector<16xi32>
    %ne3A_19 = arith.constant 0 : i32
    %ne3A_20 = vector.broadcast %ne3A_19 : i32 to vector<16xi32>
    %ne3A_21 = arith.cmpi ne, %rem3A_18, %ne3A_20 : vector<16xi32>
    %and3A = arith.andi %ne3A_17, %ne3A_21 : vector<16xi1>
    %sub3A = arith.constant 1 : i32
    %sub3A_22 = vector.broadcast %sub3A : i32 to vector<16xi32>
    %sub3A_23 = arith.subi %div3A_1, %sub3A_22 : vector<16xi32>
    %select_n3A = arith.select %and3A, %sub3A_23, %div3A_1 : vector<16xi1>, vector<16xi32>
    %jit3A_24 = arith.constant 8 : i32
    %eq3A = arith.constant 0 : i32
    %eq3A_25 = arith.cmpi eq, %jit3A_24, %eq3A : i32
    %jit3A_26 = arith.constant 1 : i32
    %select_n3A_27 = arith.select %eq3A_25, %jit3A_26, %jit3A_24 : i32
    %rem3A_28 = vector.broadcast %select_n3A_27 : i32 to vector<16xi32>
    %rem3A_29 = arith.remsi %iota3A, %rem3A_28 : vector<16xi32>
    %ne3A_30 = arith.constant 0 : i32
    %ne3A_31 = vector.broadcast %ne3A_30 : i32 to vector<16xi32>
    %ne3A_32 = arith.cmpi ne, %rem3A_29, %ne3A_31 : vector<16xi32>
    %lt3A = arith.constant 0 : i32
    %lt3A_33 = vector.broadcast %lt3A : i32 to vector<16xi32>
    %lt3A_34 = arith.cmpi slt, %rem3A_29, %lt3A_33 : vector<16xi32>
    %lt3A_35 = arith.constant 0 : i32
    %lt3A_36 = arith.cmpi slt, %select_n3A_27, %lt3A_35 : i32
    %ne3A_37 = vector.broadcast %lt3A_36 : i1 to vector<16xi1>
    %ne3A_38 = vector.broadcast %ne3A_37 : vector<16xi1> to vector<16xi1>
    %ne3A_39 = arith.xori %lt3A_34, %ne3A_38 : vector<16xi1>
    %and3A_40 = arith.andi %ne3A_39, %ne3A_32 : vector<16xi1>
    %add3A_41 = vector.broadcast %select_n3A_27 : i32 to vector<16xi32>
    %add3A_42 = arith.addi %rem3A_29, %add3A_41 : vector<16xi32>
    %select_n3A_43 = arith.select %and3A_40, %add3A_42, %rem3A_29 : vector<16xi1>, vector<16xi32>
    %dma_start3A = arith.constant 0 : i32
    %dma_start3A_44 = arith.constant 0 : i32
    %dma_start3A_45 = arith.constant 0 : i32
    %dma_start3A_46 = tpu.memref_slice %arg6[%dma_start3A, %dma_start3A_44, %dma_start3A_45] : memref<25x8x128xi32, #tpu.memory_space<vmem>> -> memref<1x1x128xi32, #tpu.memory_space<vmem>>
    %dma_start3A_47 = tpu.memref_squeeze %dma_start3A_46 : memref<1x1x128xi32, #tpu.memory_space<vmem>> -> memref<128xi32, #tpu.memory_space<vmem>>
    %dma_start3A_48 = arith.constant 0 : i32
    %dma_start3A_49 = arith.constant 0 : i32
    %dma_start3A_50 = tpu.memref_slice %arg3[%dma_start3A_48, %dma_start3A_49] : memref<100000x64xf32, #tpu.memory_space<hbm>> -> memref<100000x64xf32, #tpu.memory_space<hbm>>
    tpu.enqueue_indirect_dma source(%dma_start3A_50 : memref<100000x64xf32, #tpu.memory_space<hbm>>) target(%arg8 : memref<128x64xf32, #tpu.memory_space<vmem>>) offsets(%dma_start3A_47 : memref<128xi32, #tpu.memory_space<vmem>>) semaphore(%arg16 : memref<!tpu.dma_semaphore, #tpu.memory_space<semaphore_mem>>)
    %dma_start3A_51 = arith.constant 0 : i32
    %dma_start3A_52 = arith.constant 1 : i32
    %dma_start3A_53 = arith.constant 0 : i32
    %dma_start3A_54 = tpu.memref_slice %arg6[%dma_start3A_51, %dma_start3A_52, %dma_start3A_53] : memref<25x8x128xi32, #tpu.memory_space<vmem>> -> memref<1x1x128xi32, #tpu.memory_space<vmem>>
    %dma_start3A_55 = tpu.memref_squeeze %dma_start3A_54 : memref<1x1x128xi32, #tpu.memory_space<vmem>> -> memref<128xi32, #tpu.memory_space<vmem>>
    %dma_start3A_56 = arith.constant 0 : i32
    %dma_start3A_57 = arith.constant 0 : i32
    %dma_start3A_58 = tpu.memref_slice %arg3[%dma_start3A_56, %dma_start3A_57] : memref<100000x64xf32, #tpu.memory_space<hbm>> -> memref<100000x64xf32, #tpu.memory_space<hbm>>
    tpu.enqueue_indirect_dma source(%dma_start3A_58 : memref<100000x64xf32, #tpu.memory_space<hbm>>) target(%arg9 : memref<128x64xf32, #tpu.memory_space<vmem>>) offsets(%dma_start3A_55 : memref<128xi32, #tpu.memory_space<vmem>>) semaphore(%arg17 : memref<!tpu.dma_semaphore, #tpu.memory_space<semaphore_mem>>)
    %dma_start3A_59 = arith.constant 0 : i32
    %dma_start3A_60 = arith.constant 2 : i32
    %dma_start3A_61 = arith.constant 0 : i32
    %dma_start3A_62 = tpu.memref_slice %arg6[%dma_start3A_59, %dma_start3A_60, %dma_start3A_61] : memref<25x8x128xi32, #tpu.memory_space<vmem>> -> memref<1x1x128xi32, #tpu.memory_space<vmem>>
    %dma_start3A_63 = tpu.memref_squeeze %dma_start3A_62 : memref<1x1x128xi32, #tpu.memory_space<vmem>> -> memref<128xi32, #tpu.memory_space<vmem>>
    %dma_start3A_64 = arith.constant 0 : i32
    %dma_start3A_65 = arith.constant 0 : i32
    %dma_start3A_66 = tpu.memref_slice %arg3[%dma_start3A_64, %dma_start3A_65] : memref<100000x64xf32, #tpu.memory_space<hbm>> -> memref<100000x64xf32, #tpu.memory_space<hbm>>
    tpu.enqueue_indirect_dma source(%dma_start3A_66 : memref<100000x64xf32, #tpu.memory_space<hbm>>) target(%arg10 : memref<128x64xf32, #tpu.memory_space<vmem>>) offsets(%dma_start3A_63 : memref<128xi32, #tpu.memory_space<vmem>>) semaphore(%arg18 : memref<!tpu.dma_semaphore, #tpu.memory_space<semaphore_mem>>)
    %dma_start3A_67 = arith.constant 0 : i32
    %dma_start3A_68 = arith.constant 3 : i32
    %dma_start3A_69 = arith.constant 0 : i32
    %dma_start3A_70 = tpu.memref_slice %arg6[%dma_start3A_67, %dma_start3A_68, %dma_start3A_69] : memref<25x8x128xi32, #tpu.memory_space<vmem>> -> memref<1x1x128xi32, #tpu.memory_space<vmem>>
    %dma_start3A_71 = tpu.memref_squeeze %dma_start3A_70 : memref<1x1x128xi32, #tpu.memory_space<vmem>> -> memref<128xi32, #tpu.memory_space<vmem>>
    %dma_start3A_72 = arith.constant 0 : i32
    %dma_start3A_73 = arith.constant 0 : i32
    %dma_start3A_74 = tpu.memref_slice %arg3[%dma_start3A_72, %dma_start3A_73] : memref<100000x64xf32, #tpu.memory_space<hbm>> -> memref<100000x64xf32, #tpu.memory_space<hbm>>
    tpu.enqueue_indirect_dma source(%dma_start3A_74 : memref<100000x64xf32, #tpu.memory_space<hbm>>) target(%arg11 : memref<128x64xf32, #tpu.memory_space<vmem>>) offsets(%dma_start3A_71 : memref<128xi32, #tpu.memory_space<vmem>>) semaphore(%arg19 : memref<!tpu.dma_semaphore, #tpu.memory_space<semaphore_mem>>)
    %scan3A = arith.constant 0 : i32
    %scan3A_75 = arith.constant 8.000000e+00 : f32
    %scan3A_76 = arith.constant 0 : i32
    %scan3A_77 = arith.constant 50 : i32
    %scan3A_78 = arith.addi %scan3A_76, %scan3A_77 : i32
    %scan3A_79 = arith.constant 1 : i32
    scf.for %scan3A_156 = %scan3A_76 to %scan3A_78 step %scan3A_79  : i32 {
      %mul3A_157 = arith.constant 4 : i32
      %mul3A_158 = arith.muli %scan3A_156, %mul3A_157 : i32
      %add3A_159 = arith.constant 0 : i32
      %add3A_160 = arith.addi %mul3A_158, %add3A_159 : i32
      %jit3A_161 = arith.constant 8 : i32
      %div3A_162 = arith.divsi %add3A_160, %jit3A_161 : i32
      %sign3A_163 = arith.constant 0 : i32
      %sign3A_164 = arith.cmpi sgt, %add3A_160, %sign3A_163 : i32
      %sign3A_165 = arith.extui %sign3A_164 : i1 to i32
      %sign3A_166 = arith.constant 0 : i32
      %sign3A_167 = arith.cmpi slt, %add3A_160, %sign3A_166 : i32
      %sign3A_168 = arith.extui %sign3A_167 : i1 to i32
      %sign3A_169 = arith.subi %sign3A_165, %sign3A_168 : i32
      %sign3A_170 = arith.constant 0 : i32
      %sign3A_171 = arith.cmpi sgt, %jit3A_161, %sign3A_170 : i32
      %sign3A_172 = arith.extui %sign3A_171 : i1 to i32
      %sign3A_173 = arith.constant 0 : i32
      %sign3A_174 = arith.cmpi slt, %jit3A_161, %sign3A_173 : i32
      %sign3A_175 = arith.extui %sign3A_174 : i1 to i32
      %sign3A_176 = arith.subi %sign3A_172, %sign3A_175 : i32
      %ne3A_177 = arith.cmpi ne, %sign3A_169, %sign3A_176 : i32
      %rem3A_178 = arith.remsi %add3A_160, %jit3A_161 : i32
      %ne3A_179 = arith.constant 0 : i32
      %ne3A_180 = arith.cmpi ne, %rem3A_178, %ne3A_179 : i32
      %and3A_181 = arith.andi %ne3A_177, %ne3A_180 : i1
      %sub3A_182 = arith.constant 1 : i32
      %sub3A_183 = arith.subi %div3A_162, %sub3A_182 : i32
      %select_n3A_184 = arith.select %and3A_181, %sub3A_183, %div3A_162 : i32
      %jit3A_185 = arith.constant 8 : i32
      %eq3A_186 = arith.constant 0 : i32
      %eq3A_187 = arith.cmpi eq, %jit3A_185, %eq3A_186 : i32
      %jit3A_188 = arith.constant 1 : i32
      %select_n3A_189 = arith.select %eq3A_187, %jit3A_188, %jit3A_185 : i32
      %rem3A_190 = arith.remsi %add3A_160, %select_n3A_189 : i32
      %ne3A_191 = arith.constant 0 : i32
      %ne3A_192 = arith.cmpi ne, %rem3A_190, %ne3A_191 : i32
      %lt3A_193 = arith.constant 0 : i32
      %lt3A_194 = arith.cmpi slt, %rem3A_190, %lt3A_193 : i32
      %lt3A_195 = arith.constant 0 : i32
      %lt3A_196 = arith.cmpi slt, %select_n3A_189, %lt3A_195 : i32
      %ne3A_197 = arith.xori %lt3A_194, %lt3A_196 : i1
      %and3A_198 = arith.andi %ne3A_197, %ne3A_192 : i1
      %add3A_199 = arith.addi %rem3A_190, %select_n3A_189 : i32
      %select_n3A_200 = arith.select %and3A_198, %add3A_199, %rem3A_190 : i32
      %dma_wait3A_201 = arith.constant 0 : i32
      %dma_wait3A_202 = tpu.memref_slice %arg6[%select_n3A_184, %select_n3A_200, %dma_wait3A_201] : memref<25x8x128xi32, #tpu.memory_space<vmem>> -> memref<1x1x128xi32, #tpu.memory_space<vmem>>
      %dma_wait3A_203 = tpu.memref_squeeze %dma_wait3A_202 : memref<1x1x128xi32, #tpu.memory_space<vmem>> -> memref<128xi32, #tpu.memory_space<vmem>>
      %dma_wait3A_204 = arith.constant 0 : i32
      %dma_wait3A_205 = arith.constant 0 : i32
      %dma_wait3A_206 = tpu.memref_slice %arg3[%dma_wait3A_204, %dma_wait3A_205] : memref<100000x64xf32, #tpu.memory_space<hbm>> -> memref<100000x64xf32, #tpu.memory_space<hbm>>
      tpu.wait_indirect_dma semaphore(%arg16 : memref<!tpu.dma_semaphore, #tpu.memory_space<semaphore_mem>>) src(%dma_wait3A_206 : memref<100000x64xf32, #tpu.memory_space<hbm>>) dst(%arg8 : memref<128x64xf32, #tpu.memory_space<vmem>>)
      %ge3A = arith.constant 4 : i32
      %ge3A_207 = arith.cmpi sge, %add3A_160, %ge3A : i32
      %convert_element_type3A = arith.extui %ge3A_207 : i1 to i32
      %cond3A = arith.constant 0 : i32
      %cond3A_208 = arith.cmpi ne, %convert_element_type3A, %cond3A : i32
      scf.if %cond3A_208 {
        %dma_wait3A_580 = arith.constant 0 : i32
        %dma_wait3A_581 = arith.constant 0 : i32
        %dma_wait3A_582 = arith.constant 0 : i32
        %dma_wait3A_583 = arith.constant 0 : i32
        %dma_wait3A_584 = tpu.memref_slice %arg12[%dma_wait3A_581, %dma_wait3A_582, %dma_wait3A_583] : memref<8x8x129xf32, #tpu.memory_space<vmem>> -> memref<8x8x128xf32, #tpu.memory_space<vmem>>
        %dma_wait3A_585 = arith.constant 0 : i32
        %dma_wait3A_586 = arith.constant 0 : i32
        %dma_wait3A_587 = arith.constant 0 : i32
        %dma_wait3A_588 = tpu.memref_slice %arg5[%dma_wait3A_580, %dma_wait3A_585, %add3A, %dma_wait3A_586, %dma_wait3A_587] : memref<200x8x32x8x128xf32, #tpu.memory_space<hbm>> -> memref<1x8x1x8x128xf32, #tpu.memory_space<hbm>>
        %dma_wait3A_589 = tpu.memref_squeeze %dma_wait3A_588 : memref<1x8x1x8x128xf32, #tpu.memory_space<hbm>> -> memref<8x8x128xf32, #tpu.memory_space<hbm>>
        %dma_wait3A_590 = arith.constant 0 : i32
        %dma_wait3A_591 = arith.constant 0 : i32
        %dma_wait3A_592 = arith.constant 0 : i32
        %dma_wait3A_593 = tpu.memref_slice %arg5[%dma_wait3A_580, %dma_wait3A_590, %add3A, %dma_wait3A_591, %dma_wait3A_592] : memref<200x8x32x8x128xf32, #tpu.memory_space<hbm>> -> memref<1x8x1x8x128xf32, #tpu.memory_space<hbm>>
        %dma_wait3A_594 = tpu.memref_squeeze %dma_wait3A_593 : memref<1x8x1x8x128xf32, #tpu.memory_space<hbm>> -> memref<8x8x128xf32, #tpu.memory_space<hbm>>
        %dma_wait3A_595 = arith.constant 0 : i32
        %dma_wait3A_596 = arith.constant 0 : i32
        %dma_wait3A_597 = arith.constant 0 : i32
        %dma_wait3A_598 = tpu.memref_slice %arg12[%dma_wait3A_595, %dma_wait3A_596, %dma_wait3A_597] : memref<8x8x129xf32, #tpu.memory_space<vmem>> -> memref<8x8x128xf32, #tpu.memory_space<vmem>>
        tpu.wait_dma2 semaphore(%arg20 : memref<!tpu.dma_semaphore, #tpu.memory_space<semaphore_mem>>) src(%dma_wait3A_598 : memref<8x8x128xf32, #tpu.memory_space<vmem>>) dst(%dma_wait3A_594 : memref<8x8x128xf32, #tpu.memory_space<hbm>>)
      } else {
      }
      %get3A = arith.index_cast %add3A_160 : i32 to index
      %get3A_209 = arith.constant 0 : index
      %get3A_210 = tpu.vector_load %arg7[%get3A, %get3A_209] {strides = array<i32>} : memref<200x64xf32, #tpu.memory_space<vmem>>, vector<16xf32>,
      %get3A_211 = arith.index_cast %add3A_160 : i32 to index
      %get3A_212 = arith.constant 16 : index
      %get3A_213 = tpu.vector_load %arg7[%get3A_211, %get3A_212] {strides = array<i32>} : memref<200x64xf32, #tpu.memory_space<vmem>>, vector<16xf32>,
      %get3A_214 = arith.index_cast %add3A_160 : i32 to index
      %get3A_215 = arith.constant 32 : index
      %get3A_216 = tpu.vector_load %arg7[%get3A_214, %get3A_215] {strides = array<i32>} : memref<200x64xf32, #tpu.memory_space<vmem>>, vector<16xf32>,
      %get3A_217 = arith.index_cast %add3A_160 : i32 to index
      %get3A_218 = arith.constant 48 : index
      %get3A_219 = tpu.vector_load %arg7[%get3A_217, %get3A_218] {strides = array<i32>} : memref<200x64xf32, #tpu.memory_space<vmem>>, vector<16xf32>,
      %add3A_220 = arith.constant 0 : i32
      %add3A_221 = vector.broadcast %add3A_220 : i32 to vector<16xi32>
      %add3A_222 = arith.addi %add3A_221, %select_n3A : vector<16xi32>
      %add3A_223 = arith.constant 2 : i32
      %add3A_224 = vector.broadcast %add3A_223 : i32 to vector<16xi32>
      %add3A_225 = arith.addi %add3A_224, %select_n3A : vector<16xi32>
      %add3A_226 = arith.constant 4 : i32
      %add3A_227 = vector.broadcast %add3A_226 : i32 to vector<16xi32>
      %add3A_228 = arith.addi %add3A_227, %select_n3A : vector<16xi32>
      %add3A_229 = arith.constant 6 : i32
      %add3A_230 = vector.broadcast %add3A_229 : i32 to vector<16xi32>
      %add3A_231 = arith.addi %add3A_230, %select_n3A : vector<16xi32>
      %parallel_loop3A = arith.constant 0 : i32
      %parallel_loop3A_232 = arith.constant 128 : i32
      %parallel_loop3A_233 = arith.constant 1 : i32
      scf.for %parallel_loop3A_580 = %parallel_loop3A to %parallel_loop3A_232 step %parallel_loop3A_233  : i32 {
        %parallel_loop3A_581 = arith.constant 0 : i32
        %parallel_loop3A_582 = vector.broadcast %parallel_loop3A_581 : i32 to vector<16xi32>
        %parallel_loop3A_583 = vector.broadcast %parallel_loop3A_580 : i32 to vector<16xi32>
        %parallel_loop3A_584 = arith.addi %parallel_loop3A_582, %parallel_loop3A_583 : vector<16xi32>
        %parallel_loop3A_585 = arith.index_cast %parallel_loop3A_580 : i32 to index
        %parallel_loop3A_586 = arith.constant 0 : index
        %parallel_loop3A_587 = tpu.vector_load %arg8[%parallel_loop3A_585, %parallel_loop3A_586] {strides = array<i32>} : memref<128x64xf32, #tpu.memory_space<vmem>>, vector<16xf32>,
        %parallel_loop3A_588 = vector.broadcast %scan3A_75 : f32 to vector<16xf32>
        %parallel_loop3A_589 = arith.mulf %parallel_loop3A_587, %parallel_loop3A_588 : vector<16xf32>
        %parallel_loop3A_590 = arith.addf %parallel_loop3A_589, %get3A_210 : vector<16xf32>
        tpu.vector_store_idx %arg12[%add3A_222, %select_n3A_43, %parallel_loop3A_584], %parallel_loop3A_590 : memref<8x8x129xf32, #tpu.memory_space<vmem>>[vector<16xi32>, vector<16xi32>, vector<16xi32>], vector<16xf32>,
        %parallel_loop3A_591 = arith.index_cast %parallel_loop3A_580 : i32 to index
        %parallel_loop3A_592 = arith.constant 16 : index
        %parallel_loop3A_593 = tpu.vector_load %arg8[%parallel_loop3A_591, %parallel_loop3A_592] {strides = array<i32>} : memref<128x64xf32, #tpu.memory_space<vmem>>, vector<16xf32>,
        %parallel_loop3A_594 = vector.broadcast %scan3A_75 : f32 to vector<16xf32>
        %parallel_loop3A_595 = arith.mulf %parallel_loop3A_593, %parallel_loop3A_594 : vector<16xf32>
        %parallel_loop3A_596 = arith.addf %parallel_loop3A_595, %get3A_213 : vector<16xf32>
        tpu.vector_store_idx %arg12[%add3A_225, %select_n3A_43, %parallel_loop3A_584], %parallel_loop3A_596 : memref<8x8x129xf32, #tpu.memory_space<vmem>>[vector<16xi32>, vector<16xi32>, vector<16xi32>], vector<16xf32>,
        %parallel_loop3A_597 = arith.index_cast %parallel_loop3A_580 : i32 to index
        %parallel_loop3A_598 = arith.constant 32 : index
        %parallel_loop3A_599 = tpu.vector_load %arg8[%parallel_loop3A_597, %parallel_loop3A_598] {strides = array<i32>} : memref<128x64xf32, #tpu.memory_space<vmem>>, vector<16xf32>,
        %parallel_loop3A_600 = vector.broadcast %scan3A_75 : f32 to vector<16xf32>
        %parallel_loop3A_601 = arith.mulf %parallel_loop3A_599, %parallel_loop3A_600 : vector<16xf32>
        %parallel_loop3A_602 = arith.addf %parallel_loop3A_601, %get3A_216 : vector<16xf32>
        tpu.vector_store_idx %arg12[%add3A_228, %select_n3A_43, %parallel_loop3A_584], %parallel_loop3A_602 : memref<8x8x129xf32, #tpu.memory_space<vmem>>[vector<16xi32>, vector<16xi32>, vector<16xi32>], vector<16xf32>,
        %parallel_loop3A_603 = arith.index_cast %parallel_loop3A_580 : i32 to index
        %parallel_loop3A_604 = arith.constant 48 : index
        %parallel_loop3A_605 = tpu.vector_load %arg8[%parallel_loop3A_603, %parallel_loop3A_604] {strides = array<i32>} : memref<128x64xf32, #tpu.memory_space<vmem>>, vector<16xf32>,
        %parallel_loop3A_606 = vector.broadcast %scan3A_75 : f32 to vector<16xf32>
        %parallel_loop3A_607 = arith.mulf %parallel_loop3A_605, %parallel_loop3A_606 : vector<16xf32>
        %parallel_loop3A_608 = arith.addf %parallel_loop3A_607, %get3A_219 : vector<16xf32>
        tpu.vector_store_idx %arg12[%add3A_231, %select_n3A_43, %parallel_loop3A_584], %parallel_loop3A_608 : memref<8x8x129xf32, #tpu.memory_space<vmem>>[vector<16xi32>, vector<16xi32>, vector<16xi32>], vector<16xf32>,
      } {sc.loop_unroll_factor = 4 : i64, sc.parallel_access}
      %add3A_234 = arith.constant 4 : i32
      %add3A_235 = arith.addi %add3A_160, %add3A_234 : i32
      %lt3A_236 = arith.constant 200 : i32
      %lt3A_237 = arith.cmpi slt, %add3A_235, %lt3A_236 : i32
      %convert_element_type3A_238 = arith.extui %lt3A_237 : i1 to i32
      %cond3A_239 = arith.constant 0 : i32
      %cond3A_240 = arith.cmpi ne, %convert_element_type3A_238, %cond3A_239 : i32
      scf.if %cond3A_240 {
        %add3A_580 = arith.constant 4 : i32
        %add3A_581 = arith.addi %add3A_160, %add3A_580 : i32
        %jit3A_582 = arith.constant 8 : i32
        %div3A_583 = arith.divsi %add3A_581, %jit3A_582 : i32
        %sign3A_584 = arith.constant 0 : i32
        %sign3A_585 = arith.cmpi sgt, %add3A_581, %sign3A_584 : i32
        %sign3A_586 = arith.extui %sign3A_585 : i1 to i32
        %sign3A_587 = arith.constant 0 : i32
        %sign3A_588 = arith.cmpi slt, %add3A_581, %sign3A_587 : i32
        %sign3A_589 = arith.extui %sign3A_588 : i1 to i32
        %sign3A_590 = arith.subi %sign3A_586, %sign3A_589 : i32
        %sign3A_591 = arith.constant 0 : i32
        %sign3A_592 = arith.cmpi sgt, %jit3A_582, %sign3A_591 : i32
        %sign3A_593 = arith.extui %sign3A_592 : i1 to i32
        %sign3A_594 = arith.constant 0 : i32
        %sign3A_595 = arith.cmpi slt, %jit3A_582, %sign3A_594 : i32
        %sign3A_596 = arith.extui %sign3A_595 : i1 to i32
        %sign3A_597 = arith.subi %sign3A_593, %sign3A_596 : i32
        %ne3A_598 = arith.cmpi ne, %sign3A_590, %sign3A_597 : i32
        %rem3A_599 = arith.remsi %add3A_581, %jit3A_582 : i32
        %ne3A_600 = arith.constant 0 : i32
        %ne3A_601 = arith.cmpi ne, %rem3A_599, %ne3A_600 : i32
        %and3A_602 = arith.andi %ne3A_598, %ne3A_601 : i1
        %sub3A_603 = arith.constant 1 : i32
        %sub3A_604 = arith.subi %div3A_583, %sub3A_603 : i32
        %select_n3A_605 = arith.select %and3A_602, %sub3A_604, %div3A_583 : i32
        %jit3A_606 = arith.constant 8 : i32
        %eq3A_607 = arith.constant 0 : i32
        %eq3A_608 = arith.cmpi eq, %jit3A_606, %eq3A_607 : i32
        %jit3A_609 = arith.constant 1 : i32
        %select_n3A_610 = arith.select %eq3A_608, %jit3A_609, %jit3A_606 : i32
        %rem3A_611 = arith.remsi %add3A_581, %select_n3A_610 : i32
        %ne3A_612 = arith.constant 0 : i32
        %ne3A_613 = arith.cmpi ne, %rem3A_611, %ne3A_612 : i32
        %lt3A_614 = arith.constant 0 : i32
        %lt3A_615 = arith.cmpi slt, %rem3A_611, %lt3A_614 : i32
        %lt3A_616 = arith.constant 0 : i32
        %lt3A_617 = arith.cmpi slt, %select_n3A_610, %lt3A_616 : i32
        %ne3A_618 = arith.xori %lt3A_615, %lt3A_617 : i1
        %and3A_619 = arith.andi %ne3A_618, %ne3A_613 : i1
        %add3A_620 = arith.addi %rem3A_611, %select_n3A_610 : i32
        %select_n3A_621 = arith.select %and3A_619, %add3A_620, %rem3A_611 : i32
        %dma_start3A_622 = arith.constant 0 : i32
        %dma_start3A_623 = tpu.memref_slice %arg6[%select_n3A_605, %select_n3A_621, %dma_start3A_622] : memref<25x8x128xi32, #tpu.memory_space<vmem>> -> memref<1x1x128xi32, #tpu.memory_space<vmem>>
        %dma_start3A_624 = tpu.memref_squeeze %dma_start3A_623 : memref<1x1x128xi32, #tpu.memory_space<vmem>> -> memref<128xi32, #tpu.memory_space<vmem>>
        %dma_start3A_625 = arith.constant 0 : i32
        %dma_start3A_626 = arith.constant 0 : i32
        %dma_start3A_627 = tpu.memref_slice %arg3[%dma_start3A_625, %dma_start3A_626] : memref<100000x64xf32, #tpu.memory_space<hbm>> -> memref<100000x64xf32, #tpu.memory_space<hbm>>
        tpu.enqueue_indirect_dma source(%dma_start3A_627 : memref<100000x64xf32, #tpu.memory_space<hbm>>) target(%arg8 : memref<128x64xf32, #tpu.memory_space<vmem>>) offsets(%dma_start3A_624 : memref<128xi32, #tpu.memory_space<vmem>>) semaphore(%arg16 : memref<!tpu.dma_semaphore, #tpu.memory_space<semaphore_mem>>)
      } else {
      }
      %dma_start3A_241 = arith.constant 0 : i32
      %dma_start3A_242 = arith.constant 0 : i32
      %dma_start3A_243 = arith.constant 0 : i32
      %dma_start3A_244 = tpu.memref_slice %arg12[%dma_start3A_241, %dma_start3A_242, %dma_start3A_243] : memref<8x8x129xf32, #tpu.memory_space<vmem>> -> memref<8x8x128xf32, #tpu.memory_space<vmem>>
      %dma_start3A_245 = arith.constant 0 : i32
      %dma_start3A_246 = arith.constant 0 : i32
      %dma_start3A_247 = arith.constant 0 : i32
      %dma_start3A_248 = tpu.memref_slice %arg5[%add3A_160, %dma_start3A_245, %add3A, %dma_start3A_246, %dma_start3A_247] : memref<200x8x32x8x128xf32, #tpu.memory_space<hbm>> -> memref<1x8x1x8x128xf32, #tpu.memory_space<hbm>>
      %dma_start3A_249 = tpu.memref_squeeze %dma_start3A_248 : memref<1x8x1x8x128xf32, #tpu.memory_space<hbm>> -> memref<8x8x128xf32, #tpu.memory_space<hbm>>
      %dma_start3A_250 = arith.constant 0 : i32
      %dma_start3A_251 = arith.constant 0 : i32
      %dma_start3A_252 = arith.constant 0 : i32
      %dma_start3A_253 = tpu.memref_slice %arg5[%add3A_160, %dma_start3A_250, %add3A, %dma_start3A_251, %dma_start3A_252] : memref<200x8x32x8x128xf32, #tpu.memory_space<hbm>> -> memref<1x8x1x8x128xf32, #tpu.memory_space<hbm>>
      %dma_start3A_254 = tpu.memref_squeeze %dma_start3A_253 : memref<1x8x1x8x128xf32, #tpu.memory_space<hbm>> -> memref<8x8x128xf32, #tpu.memory_space<hbm>>
      %dma_start3A_255 = arith.constant 0 : i32
      %dma_start3A_256 = arith.constant 0 : i32
      %dma_start3A_257 = arith.constant 0 : i32
      %dma_start3A_258 = tpu.memref_slice %arg12[%dma_start3A_255, %dma_start3A_256, %dma_start3A_257] : memref<8x8x129xf32, #tpu.memory_space<vmem>> -> memref<8x8x128xf32, #tpu.memory_space<vmem>>
      tpu.enqueue_dma source(%dma_start3A_258 : memref<8x8x128xf32, #tpu.memory_space<vmem>>) target(%dma_start3A_254 : memref<8x8x128xf32, #tpu.memory_space<hbm>>) target_semaphore(%arg20 : memref<!tpu.dma_semaphore, #tpu.memory_space<semaphore_mem>>)
      %mul3A_259 = arith.constant 4 : i32
      %mul3A_260 = arith.muli %scan3A_156, %mul3A_259 : i32
      %add3A_261 = arith.constant 1 : i32
      %add3A_262 = arith.addi %mul3A_260, %add3A_261 : i32
      %jit3A_263 = arith.constant 8 : i32
      %div3A_264 = arith.divsi %add3A_262, %jit3A_263 : i32
      %sign3A_265 = arith.constant 0 : i32
      %sign3A_266 = arith.cmpi sgt, %add3A_262, %sign3A_265 : i32
      %sign3A_267 = arith.extui %sign3A_266 : i1 to i32
      %sign3A_268 = arith.constant 0 : i32
      %sign3A_269 = arith.cmpi slt, %add3A_262, %sign3A_268 : i32
      %sign3A_270 = arith.extui %sign3A_269 : i1 to i32
      %sign3A_271 = arith.subi %sign3A_267, %sign3A_270 : i32
      %sign3A_272 = arith.constant 0 : i32
      %sign3A_273 = arith.cmpi sgt, %jit3A_263, %sign3A_272 : i32
      %sign3A_274 = arith.extui %sign3A_273 : i1 to i32
      %sign3A_275 = arith.constant 0 : i32
      %sign3A_276 = arith.cmpi slt, %jit3A_263, %sign3A_275 : i32
      %sign3A_277 = arith.extui %sign3A_276 : i1 to i32
      %sign3A_278 = arith.subi %sign3A_274, %sign3A_277 : i32
      %ne3A_279 = arith.cmpi ne, %sign3A_271, %sign3A_278 : i32
      %rem3A_280 = arith.remsi %add3A_262, %jit3A_263 : i32
      %ne3A_281 = arith.constant 0 : i32
      %ne3A_282 = arith.cmpi ne, %rem3A_280, %ne3A_281 : i32
      %and3A_283 = arith.andi %ne3A_279, %ne3A_282 : i1
      %sub3A_284 = arith.constant 1 : i32
      %sub3A_285 = arith.subi %div3A_264, %sub3A_284 : i32
      %select_n3A_286 = arith.select %and3A_283, %sub3A_285, %div3A_264 : i32
      %jit3A_287 = arith.constant 8 : i32
      %eq3A_288 = arith.constant 0 : i32
      %eq3A_289 = arith.cmpi eq, %jit3A_287, %eq3A_288 : i32
      %jit3A_290 = arith.constant 1 : i32
      %select_n3A_291 = arith.select %eq3A_289, %jit3A_290, %jit3A_287 : i32
      %rem3A_292 = arith.remsi %add3A_262, %select_n3A_291 : i32
      %ne3A_293 = arith.constant 0 : i32
      %ne3A_294 = arith.cmpi ne, %rem3A_292, %ne3A_293 : i32
      %lt3A_295 = arith.constant 0 : i32
      %lt3A_296 = arith.cmpi slt, %rem3A_292, %lt3A_295 : i32
      %lt3A_297 = arith.constant 0 : i32
      %lt3A_298 = arith.cmpi slt, %select_n3A_291, %lt3A_297 : i32
      %ne3A_299 = arith.xori %lt3A_296, %lt3A_298 : i1
      %and3A_300 = arith.andi %ne3A_299, %ne3A_294 : i1
      %add3A_301 = arith.addi %rem3A_292, %select_n3A_291 : i32
      %select_n3A_302 = arith.select %and3A_300, %add3A_301, %rem3A_292 : i32
      %dma_wait3A_303 = arith.constant 0 : i32
      %dma_wait3A_304 = tpu.memref_slice %arg6[%select_n3A_286, %select_n3A_302, %dma_wait3A_303] : memref<25x8x128xi32, #tpu.memory_space<vmem>> -> memref<1x1x128xi32, #tpu.memory_space<vmem>>
      %dma_wait3A_305 = tpu.memref_squeeze %dma_wait3A_304 : memref<1x1x128xi32, #tpu.memory_space<vmem>> -> memref<128xi32, #tpu.memory_space<vmem>>
      %dma_wait3A_306 = arith.constant 0 : i32
      %dma_wait3A_307 = arith.constant 0 : i32
      %dma_wait3A_308 = tpu.memref_slice %arg3[%dma_wait3A_306, %dma_wait3A_307] : memref<100000x64xf32, #tpu.memory_space<hbm>> -> memref<100000x64xf32, #tpu.memory_space<hbm>>
      tpu.wait_indirect_dma semaphore(%arg17 : memref<!tpu.dma_semaphore, #tpu.memory_space<semaphore_mem>>) src(%dma_wait3A_308 : memref<100000x64xf32, #tpu.memory_space<hbm>>) dst(%arg9 : memref<128x64xf32, #tpu.memory_space<vmem>>)
      %ge3A_309 = arith.constant 4 : i32
      %ge3A_310 = arith.cmpi sge, %add3A_262, %ge3A_309 : i32
      %convert_element_type3A_311 = arith.extui %ge3A_310 : i1 to i32
      %cond3A_312 = arith.constant 0 : i32
      %cond3A_313 = arith.cmpi ne, %convert_element_type3A_311, %cond3A_312 : i32
      scf.if %cond3A_313 {
        %dma_wait3A_580 = arith.constant 0 : i32
        %dma_wait3A_581 = arith.constant 0 : i32
        %dma_wait3A_582 = arith.constant 0 : i32
        %dma_wait3A_583 = arith.constant 0 : i32
        %dma_wait3A_584 = tpu.memref_slice %arg13[%dma_wait3A_581, %dma_wait3A_582, %dma_wait3A_583] : memref<8x8x129xf32, #tpu.memory_space<vmem>> -> memref<8x8x128xf32, #tpu.memory_space<vmem>>
        %dma_wait3A_585 = arith.constant 0 : i32
        %dma_wait3A_586 = arith.constant 0 : i32
        %dma_wait3A_587 = arith.constant 0 : i32
        %dma_wait3A_588 = tpu.memref_slice %arg5[%dma_wait3A_580, %dma_wait3A_585, %add3A, %dma_wait3A_586, %dma_wait3A_587] : memref<200x8x32x8x128xf32, #tpu.memory_space<hbm>> -> memref<1x8x1x8x128xf32, #tpu.memory_space<hbm>>
        %dma_wait3A_589 = tpu.memref_squeeze %dma_wait3A_588 : memref<1x8x1x8x128xf32, #tpu.memory_space<hbm>> -> memref<8x8x128xf32, #tpu.memory_space<hbm>>
        %dma_wait3A_590 = arith.constant 0 : i32
        %dma_wait3A_591 = arith.constant 0 : i32
        %dma_wait3A_592 = arith.constant 0 : i32
        %dma_wait3A_593 = tpu.memref_slice %arg5[%dma_wait3A_580, %dma_wait3A_590, %add3A, %dma_wait3A_591, %dma_wait3A_592] : memref<200x8x32x8x128xf32, #tpu.memory_space<hbm>> -> memref<1x8x1x8x128xf32, #tpu.memory_space<hbm>>
        %dma_wait3A_594 = tpu.memref_squeeze %dma_wait3A_593 : memref<1x8x1x8x128xf32, #tpu.memory_space<hbm>> -> memref<8x8x128xf32, #tpu.memory_space<hbm>>
        %dma_wait3A_595 = arith.constant 0 : i32
        %dma_wait3A_596 = arith.constant 0 : i32
        %dma_wait3A_597 = arith.constant 0 : i32
        %dma_wait3A_598 = tpu.memref_slice %arg13[%dma_wait3A_595, %dma_wait3A_596, %dma_wait3A_597] : memref<8x8x129xf32, #tpu.memory_space<vmem>> -> memref<8x8x128xf32, #tpu.memory_space<vmem>>
        tpu.wait_dma2 semaphore(%arg21 : memref<!tpu.dma_semaphore, #tpu.memory_space<semaphore_mem>>) src(%dma_wait3A_598 : memref<8x8x128xf32, #tpu.memory_space<vmem>>) dst(%dma_wait3A_594 : memref<8x8x128xf32, #tpu.memory_space<hbm>>)
      } else {
      }
      %get3A_314 = arith.index_cast %add3A_262 : i32 to index
      %get3A_315 = arith.constant 0 : index
      %get3A_316 = tpu.vector_load %arg7[%get3A_314, %get3A_315] {strides = array<i32>} : memref<200x64xf32, #tpu.memory_space<vmem>>, vector<16xf32>,
      %get3A_317 = arith.index_cast %add3A_262 : i32 to index
      %get3A_318 = arith.constant 16 : index
      %get3A_319 = tpu.vector_load %arg7[%get3A_317, %get3A_318] {strides = array<i32>} : memref<200x64xf32, #tpu.memory_space<vmem>>, vector<16xf32>,
      %get3A_320 = arith.index_cast %add3A_262 : i32 to index
      %get3A_321 = arith.constant 32 : index
      %get3A_322 = tpu.vector_load %arg7[%get3A_320, %get3A_321] {strides = array<i32>} : memref<200x64xf32, #tpu.memory_space<vmem>>, vector<16xf32>,
      %get3A_323 = arith.index_cast %add3A_262 : i32 to index
      %get3A_324 = arith.constant 48 : index
      %get3A_325 = tpu.vector_load %arg7[%get3A_323, %get3A_324] {strides = array<i32>} : memref<200x64xf32, #tpu.memory_space<vmem>>, vector<16xf32>,
      %add3A_326 = arith.constant 0 : i32
      %add3A_327 = vector.broadcast %add3A_326 : i32 to vector<16xi32>
      %add3A_328 = arith.addi %add3A_327, %select_n3A : vector<16xi32>
      %add3A_329 = arith.constant 2 : i32
      %add3A_330 = vector.broadcast %add3A_329 : i32 to vector<16xi32>
      %add3A_331 = arith.addi %add3A_330, %select_n3A : vector<16xi32>
      %add3A_332 = arith.constant 4 : i32
      %add3A_333 = vector.broadcast %add3A_332 : i32 to vector<16xi32>
      %add3A_334 = arith.addi %add3A_333, %select_n3A : vector<16xi32>
      %add3A_335 = arith.constant 6 : i32
      %add3A_336 = vector.broadcast %add3A_335 : i32 to vector<16xi32>
      %add3A_337 = arith.addi %add3A_336, %select_n3A : vector<16xi32>
      %parallel_loop3A_338 = arith.constant 0 : i32
      %parallel_loop3A_339 = arith.constant 128 : i32
      %parallel_loop3A_340 = arith.constant 1 : i32
      scf.for %parallel_loop3A_580 = %parallel_loop3A_338 to %parallel_loop3A_339 step %parallel_loop3A_340  : i32 {
        %parallel_loop3A_581 = arith.constant 0 : i32
        %parallel_loop3A_582 = vector.broadcast %parallel_loop3A_581 : i32 to vector<16xi32>
        %parallel_loop3A_583 = vector.broadcast %parallel_loop3A_580 : i32 to vector<16xi32>
        %parallel_loop3A_584 = arith.addi %parallel_loop3A_582, %parallel_loop3A_583 : vector<16xi32>
        %parallel_loop3A_585 = arith.index_cast %parallel_loop3A_580 : i32 to index
        %parallel_loop3A_586 = arith.constant 0 : index
        %parallel_loop3A_587 = tpu.vector_load %arg9[%parallel_loop3A_585, %parallel_loop3A_586] {strides = array<i32>} : memref<128x64xf32, #tpu.memory_space<vmem>>, vector<16xf32>,
        %parallel_loop3A_588 = vector.broadcast %scan3A_75 : f32 to vector<16xf32>
        %parallel_loop3A_589 = arith.mulf %parallel_loop3A_587, %parallel_loop3A_588 : vector<16xf32>
        %parallel_loop3A_590 = arith.addf %parallel_loop3A_589, %get3A_316 : vector<16xf32>
        tpu.vector_store_idx %arg13[%add3A_328, %select_n3A_43, %parallel_loop3A_584], %parallel_loop3A_590 : memref<8x8x129xf32, #tpu.memory_space<vmem>>[vector<16xi32>, vector<16xi32>, vector<16xi32>], vector<16xf32>,
        %parallel_loop3A_591 = arith.index_cast %parallel_loop3A_580 : i32 to index
        %parallel_loop3A_592 = arith.constant 16 : index
        %parallel_loop3A_593 = tpu.vector_load %arg9[%parallel_loop3A_591, %parallel_loop3A_592] {strides = array<i32>} : memref<128x64xf32, #tpu.memory_space<vmem>>, vector<16xf32>,
        %parallel_loop3A_594 = vector.broadcast %scan3A_75 : f32 to vector<16xf32>
        %parallel_loop3A_595 = arith.mulf %parallel_loop3A_593, %parallel_loop3A_594 : vector<16xf32>
        %parallel_loop3A_596 = arith.addf %parallel_loop3A_595, %get3A_319 : vector<16xf32>
        tpu.vector_store_idx %arg13[%add3A_331, %select_n3A_43, %parallel_loop3A_584], %parallel_loop3A_596 : memref<8x8x129xf32, #tpu.memory_space<vmem>>[vector<16xi32>, vector<16xi32>, vector<16xi32>], vector<16xf32>,
        %parallel_loop3A_597 = arith.index_cast %parallel_loop3A_580 : i32 to index
        %parallel_loop3A_598 = arith.constant 32 : index
        %parallel_loop3A_599 = tpu.vector_load %arg9[%parallel_loop3A_597, %parallel_loop3A_598] {strides = array<i32>} : memref<128x64xf32, #tpu.memory_space<vmem>>, vector<16xf32>,
        %parallel_loop3A_600 = vector.broadcast %scan3A_75 : f32 to vector<16xf32>
        %parallel_loop3A_601 = arith.mulf %parallel_loop3A_599, %parallel_loop3A_600 : vector<16xf32>
        %parallel_loop3A_602 = arith.addf %parallel_loop3A_601, %get3A_322 : vector<16xf32>
        tpu.vector_store_idx %arg13[%add3A_334, %select_n3A_43, %parallel_loop3A_584], %parallel_loop3A_602 : memref<8x8x129xf32, #tpu.memory_space<vmem>>[vector<16xi32>, vector<16xi32>, vector<16xi32>], vector<16xf32>,
        %parallel_loop3A_603 = arith.index_cast %parallel_loop3A_580 : i32 to index
        %parallel_loop3A_604 = arith.constant 48 : index
        %parallel_loop3A_605 = tpu.vector_load %arg9[%parallel_loop3A_603, %parallel_loop3A_604] {strides = array<i32>} : memref<128x64xf32, #tpu.memory_space<vmem>>, vector<16xf32>,
        %parallel_loop3A_606 = vector.broadcast %scan3A_75 : f32 to vector<16xf32>
        %parallel_loop3A_607 = arith.mulf %parallel_loop3A_605, %parallel_loop3A_606 : vector<16xf32>
        %parallel_loop3A_608 = arith.addf %parallel_loop3A_607, %get3A_325 : vector<16xf32>
        tpu.vector_store_idx %arg13[%add3A_337, %select_n3A_43, %parallel_loop3A_584], %parallel_loop3A_608 : memref<8x8x129xf32, #tpu.memory_space<vmem>>[vector<16xi32>, vector<16xi32>, vector<16xi32>], vector<16xf32>,
      } {sc.loop_unroll_factor = 4 : i64, sc.parallel_access}
      %add3A_341 = arith.constant 4 : i32
      %add3A_342 = arith.addi %add3A_262, %add3A_341 : i32
      %lt3A_343 = arith.constant 200 : i32
      %lt3A_344 = arith.cmpi slt, %add3A_342, %lt3A_343 : i32
      %convert_element_type3A_345 = arith.extui %lt3A_344 : i1 to i32
      %cond3A_346 = arith.constant 0 : i32
      %cond3A_347 = arith.cmpi ne, %convert_element_type3A_345, %cond3A_346 : i32
      scf.if %cond3A_347 {
        %add3A_580 = arith.constant 4 : i32
        %add3A_581 = arith.addi %add3A_262, %add3A_580 : i32
        %jit3A_582 = arith.constant 8 : i32
        %div3A_583 = arith.divsi %add3A_581, %jit3A_582 : i32
        %sign3A_584 = arith.constant 0 : i32
        %sign3A_585 = arith.cmpi sgt, %add3A_581, %sign3A_584 : i32
        %sign3A_586 = arith.extui %sign3A_585 : i1 to i32
        %sign3A_587 = arith.constant 0 : i32
        %sign3A_588 = arith.cmpi slt, %add3A_581, %sign3A_587 : i32
        %sign3A_589 = arith.extui %sign3A_588 : i1 to i32
        %sign3A_590 = arith.subi %sign3A_586, %sign3A_589 : i32
        %sign3A_591 = arith.constant 0 : i32
        %sign3A_592 = arith.cmpi sgt, %jit3A_582, %sign3A_591 : i32
        %sign3A_593 = arith.extui %sign3A_592 : i1 to i32
        %sign3A_594 = arith.constant 0 : i32
        %sign3A_595 = arith.cmpi slt, %jit3A_582, %sign3A_594 : i32
        %sign3A_596 = arith.extui %sign3A_595 : i1 to i32
        %sign3A_597 = arith.subi %sign3A_593, %sign3A_596 : i32
        %ne3A_598 = arith.cmpi ne, %sign3A_590, %sign3A_597 : i32
        %rem3A_599 = arith.remsi %add3A_581, %jit3A_582 : i32
        %ne3A_600 = arith.constant 0 : i32
        %ne3A_601 = arith.cmpi ne, %rem3A_599, %ne3A_600 : i32
        %and3A_602 = arith.andi %ne3A_598, %ne3A_601 : i1
        %sub3A_603 = arith.constant 1 : i32
        %sub3A_604 = arith.subi %div3A_583, %sub3A_603 : i32
        %select_n3A_605 = arith.select %and3A_602, %sub3A_604, %div3A_583 : i32
        %jit3A_606 = arith.constant 8 : i32
        %eq3A_607 = arith.constant 0 : i32
        %eq3A_608 = arith.cmpi eq, %jit3A_606, %eq3A_607 : i32
        %jit3A_609 = arith.constant 1 : i32
        %select_n3A_610 = arith.select %eq3A_608, %jit3A_609, %jit3A_606 : i32
        %rem3A_611 = arith.remsi %add3A_581, %select_n3A_610 : i32
        %ne3A_612 = arith.constant 0 : i32
        %ne3A_613 = arith.cmpi ne, %rem3A_611, %ne3A_612 : i32
        %lt3A_614 = arith.constant 0 : i32
        %lt3A_615 = arith.cmpi slt, %rem3A_611, %lt3A_614 : i32
        %lt3A_616 = arith.constant 0 : i32
        %lt3A_617 = arith.cmpi slt, %select_n3A_610, %lt3A_616 : i32
        %ne3A_618 = arith.xori %lt3A_615, %lt3A_617 : i1
        %and3A_619 = arith.andi %ne3A_618, %ne3A_613 : i1
        %add3A_620 = arith.addi %rem3A_611, %select_n3A_610 : i32
        %select_n3A_621 = arith.select %and3A_619, %add3A_620, %rem3A_611 : i32
        %dma_start3A_622 = arith.constant 0 : i32
        %dma_start3A_623 = tpu.memref_slice %arg6[%select_n3A_605, %select_n3A_621, %dma_start3A_622] : memref<25x8x128xi32, #tpu.memory_space<vmem>> -> memref<1x1x128xi32, #tpu.memory_space<vmem>>
        %dma_start3A_624 = tpu.memref_squeeze %dma_start3A_623 : memref<1x1x128xi32, #tpu.memory_space<vmem>> -> memref<128xi32, #tpu.memory_space<vmem>>
        %dma_start3A_625 = arith.constant 0 : i32
        %dma_start3A_626 = arith.constant 0 : i32
        %dma_start3A_627 = tpu.memref_slice %arg3[%dma_start3A_625, %dma_start3A_626] : memref<100000x64xf32, #tpu.memory_space<hbm>> -> memref<100000x64xf32, #tpu.memory_space<hbm>>
        tpu.enqueue_indirect_dma source(%dma_start3A_627 : memref<100000x64xf32, #tpu.memory_space<hbm>>) target(%arg9 : memref<128x64xf32, #tpu.memory_space<vmem>>) offsets(%dma_start3A_624 : memref<128xi32, #tpu.memory_space<vmem>>) semaphore(%arg17 : memref<!tpu.dma_semaphore, #tpu.memory_space<semaphore_mem>>)
      } else {
      }
      %dma_start3A_348 = arith.constant 0 : i32
      %dma_start3A_349 = arith.constant 0 : i32
      %dma_start3A_350 = arith.constant 0 : i32
      %dma_start3A_351 = tpu.memref_slice %arg13[%dma_start3A_348, %dma_start3A_349, %dma_start3A_350] : memref<8x8x129xf32, #tpu.memory_space<vmem>> -> memref<8x8x128xf32, #tpu.memory_space<vmem>>
      %dma_start3A_352 = arith.constant 0 : i32
      %dma_start3A_353 = arith.constant 0 : i32
      %dma_start3A_354 = arith.constant 0 : i32
      %dma_start3A_355 = tpu.memref_slice %arg5[%add3A_262, %dma_start3A_352, %add3A, %dma_start3A_353, %dma_start3A_354] : memref<200x8x32x8x128xf32, #tpu.memory_space<hbm>> -> memref<1x8x1x8x128xf32, #tpu.memory_space<hbm>>
      %dma_start3A_356 = tpu.memref_squeeze %dma_start3A_355 : memref<1x8x1x8x128xf32, #tpu.memory_space<hbm>> -> memref<8x8x128xf32, #tpu.memory_space<hbm>>
      %dma_start3A_357 = arith.constant 0 : i32
      %dma_start3A_358 = arith.constant 0 : i32
      %dma_start3A_359 = arith.constant 0 : i32
      %dma_start3A_360 = tpu.memref_slice %arg5[%add3A_262, %dma_start3A_357, %add3A, %dma_start3A_358, %dma_start3A_359] : memref<200x8x32x8x128xf32, #tpu.memory_space<hbm>> -> memref<1x8x1x8x128xf32, #tpu.memory_space<hbm>>
      %dma_start3A_361 = tpu.memref_squeeze %dma_start3A_360 : memref<1x8x1x8x128xf32, #tpu.memory_space<hbm>> -> memref<8x8x128xf32, #tpu.memory_space<hbm>>
      %dma_start3A_362 = arith.constant 0 : i32
      %dma_start3A_363 = arith.constant 0 : i32
      %dma_start3A_364 = arith.constant 0 : i32
      %dma_start3A_365 = tpu.memref_slice %arg13[%dma_start3A_362, %dma_start3A_363, %dma_start3A_364] : memref<8x8x129xf32, #tpu.memory_space<vmem>> -> memref<8x8x128xf32, #tpu.memory_space<vmem>>
      tpu.enqueue_dma source(%dma_start3A_365 : memref<8x8x128xf32, #tpu.memory_space<vmem>>) target(%dma_start3A_361 : memref<8x8x128xf32, #tpu.memory_space<hbm>>) target_semaphore(%arg21 : memref<!tpu.dma_semaphore, #tpu.memory_space<semaphore_mem>>)
      %mul3A_366 = arith.constant 4 : i32
      %mul3A_367 = arith.muli %scan3A_156, %mul3A_366 : i32
      %add3A_368 = arith.constant 2 : i32
      %add3A_369 = arith.addi %mul3A_367, %add3A_368 : i32
      %jit3A_370 = arith.constant 8 : i32
      %div3A_371 = arith.divsi %add3A_369, %jit3A_370 : i32
      %sign3A_372 = arith.constant 0 : i32
      %sign3A_373 = arith.cmpi sgt, %add3A_369, %sign3A_372 : i32
      %sign3A_374 = arith.extui %sign3A_373 : i1 to i32
      %sign3A_375 = arith.constant 0 : i32
      %sign3A_376 = arith.cmpi slt, %add3A_369, %sign3A_375 : i32
      %sign3A_377 = arith.extui %sign3A_376 : i1 to i32
      %sign3A_378 = arith.subi %sign3A_374, %sign3A_377 : i32
      %sign3A_379 = arith.constant 0 : i32
      %sign3A_380 = arith.cmpi sgt, %jit3A_370, %sign3A_379 : i32
      %sign3A_381 = arith.extui %sign3A_380 : i1 to i32
      %sign3A_382 = arith.constant 0 : i32
      %sign3A_383 = arith.cmpi slt, %jit3A_370, %sign3A_382 : i32
      %sign3A_384 = arith.extui %sign3A_383 : i1 to i32
      %sign3A_385 = arith.subi %sign3A_381, %sign3A_384 : i32
      %ne3A_386 = arith.cmpi ne, %sign3A_378, %sign3A_385 : i32
      %rem3A_387 = arith.remsi %add3A_369, %jit3A_370 : i32
      %ne3A_388 = arith.constant 0 : i32
      %ne3A_389 = arith.cmpi ne, %rem3A_387, %ne3A_388 : i32
      %and3A_390 = arith.andi %ne3A_386, %ne3A_389 : i1
      %sub3A_391 = arith.constant 1 : i32
      %sub3A_392 = arith.subi %div3A_371, %sub3A_391 : i32
      %select_n3A_393 = arith.select %and3A_390, %sub3A_392, %div3A_371 : i32
      %jit3A_394 = arith.constant 8 : i32
      %eq3A_395 = arith.constant 0 : i32
      %eq3A_396 = arith.cmpi eq, %jit3A_394, %eq3A_395 : i32
      %jit3A_397 = arith.constant 1 : i32
      %select_n3A_398 = arith.select %eq3A_396, %jit3A_397, %jit3A_394 : i32
      %rem3A_399 = arith.remsi %add3A_369, %select_n3A_398 : i32
      %ne3A_400 = arith.constant 0 : i32
      %ne3A_401 = arith.cmpi ne, %rem3A_399, %ne3A_400 : i32
      %lt3A_402 = arith.constant 0 : i32
      %lt3A_403 = arith.cmpi slt, %rem3A_399, %lt3A_402 : i32
      %lt3A_404 = arith.constant 0 : i32
      %lt3A_405 = arith.cmpi slt, %select_n3A_398, %lt3A_404 : i32
      %ne3A_406 = arith.xori %lt3A_403, %lt3A_405 : i1
      %and3A_407 = arith.andi %ne3A_406, %ne3A_401 : i1
      %add3A_408 = arith.addi %rem3A_399, %select_n3A_398 : i32
      %select_n3A_409 = arith.select %and3A_407, %add3A_408, %rem3A_399 : i32
      %dma_wait3A_410 = arith.constant 0 : i32
      %dma_wait3A_411 = tpu.memref_slice %arg6[%select_n3A_393, %select_n3A_409, %dma_wait3A_410] : memref<25x8x128xi32, #tpu.memory_space<vmem>> -> memref<1x1x128xi32, #tpu.memory_space<vmem>>
      %dma_wait3A_412 = tpu.memref_squeeze %dma_wait3A_411 : memref<1x1x128xi32, #tpu.memory_space<vmem>> -> memref<128xi32, #tpu.memory_space<vmem>>
      %dma_wait3A_413 = arith.constant 0 : i32
      %dma_wait3A_414 = arith.constant 0 : i32
      %dma_wait3A_415 = tpu.memref_slice %arg3[%dma_wait3A_413, %dma_wait3A_414] : memref<100000x64xf32, #tpu.memory_space<hbm>> -> memref<100000x64xf32, #tpu.memory_space<hbm>>
      tpu.wait_indirect_dma semaphore(%arg18 : memref<!tpu.dma_semaphore, #tpu.memory_space<semaphore_mem>>) src(%dma_wait3A_415 : memref<100000x64xf32, #tpu.memory_space<hbm>>) dst(%arg10 : memref<128x64xf32, #tpu.memory_space<vmem>>)
      %ge3A_416 = arith.constant 4 : i32
      %ge3A_417 = arith.cmpi sge, %add3A_369, %ge3A_416 : i32
      %convert_element_type3A_418 = arith.extui %ge3A_417 : i1 to i32
      %cond3A_419 = arith.constant 0 : i32
      %cond3A_420 = arith.cmpi ne, %convert_element_type3A_418, %cond3A_419 : i32
      scf.if %cond3A_420 {
        %dma_wait3A_580 = arith.constant 0 : i32
        %dma_wait3A_581 = arith.constant 0 : i32
        %dma_wait3A_582 = arith.constant 0 : i32
        %dma_wait3A_583 = arith.constant 0 : i32
        %dma_wait3A_584 = tpu.memref_slice %arg14[%dma_wait3A_581, %dma_wait3A_582, %dma_wait3A_583] : memref<8x8x129xf32, #tpu.memory_space<vmem>> -> memref<8x8x128xf32, #tpu.memory_space<vmem>>
        %dma_wait3A_585 = arith.constant 0 : i32
        %dma_wait3A_586 = arith.constant 0 : i32
        %dma_wait3A_587 = arith.constant 0 : i32
        %dma_wait3A_588 = tpu.memref_slice %arg5[%dma_wait3A_580, %dma_wait3A_585, %add3A, %dma_wait3A_586, %dma_wait3A_587] : memref<200x8x32x8x128xf32, #tpu.memory_space<hbm>> -> memref<1x8x1x8x128xf32, #tpu.memory_space<hbm>>
        %dma_wait3A_589 = tpu.memref_squeeze %dma_wait3A_588 : memref<1x8x1x8x128xf32, #tpu.memory_space<hbm>> -> memref<8x8x128xf32, #tpu.memory_space<hbm>>
        %dma_wait3A_590 = arith.constant 0 : i32
        %dma_wait3A_591 = arith.constant 0 : i32
        %dma_wait3A_592 = arith.constant 0 : i32
        %dma_wait3A_593 = tpu.memref_slice %arg5[%dma_wait3A_580, %dma_wait3A_590, %add3A, %dma_wait3A_591, %dma_wait3A_592] : memref<200x8x32x8x128xf32, #tpu.memory_space<hbm>> -> memref<1x8x1x8x128xf32, #tpu.memory_space<hbm>>
        %dma_wait3A_594 = tpu.memref_squeeze %dma_wait3A_593 : memref<1x8x1x8x128xf32, #tpu.memory_space<hbm>> -> memref<8x8x128xf32, #tpu.memory_space<hbm>>
        %dma_wait3A_595 = arith.constant 0 : i32
        %dma_wait3A_596 = arith.constant 0 : i32
        %dma_wait3A_597 = arith.constant 0 : i32
        %dma_wait3A_598 = tpu.memref_slice %arg14[%dma_wait3A_595, %dma_wait3A_596, %dma_wait3A_597] : memref<8x8x129xf32, #tpu.memory_space<vmem>> -> memref<8x8x128xf32, #tpu.memory_space<vmem>>
        tpu.wait_dma2 semaphore(%arg22 : memref<!tpu.dma_semaphore, #tpu.memory_space<semaphore_mem>>) src(%dma_wait3A_598 : memref<8x8x128xf32, #tpu.memory_space<vmem>>) dst(%dma_wait3A_594 : memref<8x8x128xf32, #tpu.memory_space<hbm>>)
      } else {
      }
      %get3A_421 = arith.index_cast %add3A_369 : i32 to index
      %get3A_422 = arith.constant 0 : index
      %get3A_423 = tpu.vector_load %arg7[%get3A_421, %get3A_422] {strides = array<i32>} : memref<200x64xf32, #tpu.memory_space<vmem>>, vector<16xf32>,
      %get3A_424 = arith.index_cast %add3A_369 : i32 to index
      %get3A_425 = arith.constant 16 : index
      %get3A_426 = tpu.vector_load %arg7[%get3A_424, %get3A_425] {strides = array<i32>} : memref<200x64xf32, #tpu.memory_space<vmem>>, vector<16xf32>,
      %get3A_427 = arith.index_cast %add3A_369 : i32 to index
      %get3A_428 = arith.constant 32 : index
      %get3A_429 = tpu.vector_load %arg7[%get3A_427, %get3A_428] {strides = array<i32>} : memref<200x64xf32, #tpu.memory_space<vmem>>, vector<16xf32>,
      %get3A_430 = arith.index_cast %add3A_369 : i32 to index
      %get3A_431 = arith.constant 48 : index
      %get3A_432 = tpu.vector_load %arg7[%get3A_430, %get3A_431] {strides = array<i32>} : memref<200x64xf32, #tpu.memory_space<vmem>>, vector<16xf32>,
      %add3A_433 = arith.constant 0 : i32
      %add3A_434 = vector.broadcast %add3A_433 : i32 to vector<16xi32>
      %add3A_435 = arith.addi %add3A_434, %select_n3A : vector<16xi32>
      %add3A_436 = arith.constant 2 : i32
      %add3A_437 = vector.broadcast %add3A_436 : i32 to vector<16xi32>
      %add3A_438 = arith.addi %add3A_437, %select_n3A : vector<16xi32>
      %add3A_439 = arith.constant 4 : i32
      %add3A_440 = vector.broadcast %add3A_439 : i32 to vector<16xi32>
      %add3A_441 = arith.addi %add3A_440, %select_n3A : vector<16xi32>
      %add3A_442 = arith.constant 6 : i32
      %add3A_443 = vector.broadcast %add3A_442 : i32 to vector<16xi32>
      %add3A_444 = arith.addi %add3A_443, %select_n3A : vector<16xi32>
      %parallel_loop3A_445 = arith.constant 0 : i32
      %parallel_loop3A_446 = arith.constant 128 : i32
      %parallel_loop3A_447 = arith.constant 1 : i32
      scf.for %parallel_loop3A_580 = %parallel_loop3A_445 to %parallel_loop3A_446 step %parallel_loop3A_447  : i32 {
        %parallel_loop3A_581 = arith.constant 0 : i32
        %parallel_loop3A_582 = vector.broadcast %parallel_loop3A_581 : i32 to vector<16xi32>
        %parallel_loop3A_583 = vector.broadcast %parallel_loop3A_580 : i32 to vector<16xi32>
        %parallel_loop3A_584 = arith.addi %parallel_loop3A_582, %parallel_loop3A_583 : vector<16xi32>
        %parallel_loop3A_585 = arith.index_cast %parallel_loop3A_580 : i32 to index
        %parallel_loop3A_586 = arith.constant 0 : index
        %parallel_loop3A_587 = tpu.vector_load %arg10[%parallel_loop3A_585, %parallel_loop3A_586] {strides = array<i32>} : memref<128x64xf32, #tpu.memory_space<vmem>>, vector<16xf32>,
        %parallel_loop3A_588 = vector.broadcast %scan3A_75 : f32 to vector<16xf32>
        %parallel_loop3A_589 = arith.mulf %parallel_loop3A_587, %parallel_loop3A_588 : vector<16xf32>
        %parallel_loop3A_590 = arith.addf %parallel_loop3A_589, %get3A_423 : vector<16xf32>
        tpu.vector_store_idx %arg14[%add3A_435, %select_n3A_43, %parallel_loop3A_584], %parallel_loop3A_590 : memref<8x8x129xf32, #tpu.memory_space<vmem>>[vector<16xi32>, vector<16xi32>, vector<16xi32>], vector<16xf32>,
        %parallel_loop3A_591 = arith.index_cast %parallel_loop3A_580 : i32 to index
        %parallel_loop3A_592 = arith.constant 16 : index
        %parallel_loop3A_593 = tpu.vector_load %arg10[%parallel_loop3A_591, %parallel_loop3A_592] {strides = array<i32>} : memref<128x64xf32, #tpu.memory_space<vmem>>, vector<16xf32>,
        %parallel_loop3A_594 = vector.broadcast %scan3A_75 : f32 to vector<16xf32>
        %parallel_loop3A_595 = arith.mulf %parallel_loop3A_593, %parallel_loop3A_594 : vector<16xf32>
        %parallel_loop3A_596 = arith.addf %parallel_loop3A_595, %get3A_426 : vector<16xf32>
        tpu.vector_store_idx %arg14[%add3A_438, %select_n3A_43, %parallel_loop3A_584], %parallel_loop3A_596 : memref<8x8x129xf32, #tpu.memory_space<vmem>>[vector<16xi32>, vector<16xi32>, vector<16xi32>], vector<16xf32>,
        %parallel_loop3A_597 = arith.index_cast %parallel_loop3A_580 : i32 to index
        %parallel_loop3A_598 = arith.constant 32 : index
        %parallel_loop3A_599 = tpu.vector_load %arg10[%parallel_loop3A_597, %parallel_loop3A_598] {strides = array<i32>} : memref<128x64xf32, #tpu.memory_space<vmem>>, vector<16xf32>,
        %parallel_loop3A_600 = vector.broadcast %scan3A_75 : f32 to vector<16xf32>
        %parallel_loop3A_601 = arith.mulf %parallel_loop3A_599, %parallel_loop3A_600 : vector<16xf32>
        %parallel_loop3A_602 = arith.addf %parallel_loop3A_601, %get3A_429 : vector<16xf32>
        tpu.vector_store_idx %arg14[%add3A_441, %select_n3A_43, %parallel_loop3A_584], %parallel_loop3A_602 : memref<8x8x129xf32, #tpu.memory_space<vmem>>[vector<16xi32>, vector<16xi32>, vector<16xi32>], vector<16xf32>,
        %parallel_loop3A_603 = arith.index_cast %parallel_loop3A_580 : i32 to index
        %parallel_loop3A_604 = arith.constant 48 : index
        %parallel_loop3A_605 = tpu.vector_load %arg10[%parallel_loop3A_603, %parallel_loop3A_604] {strides = array<i32>} : memref<128x64xf32, #tpu.memory_space<vmem>>, vector<16xf32>,
        %parallel_loop3A_606 = vector.broadcast %scan3A_75 : f32 to vector<16xf32>
        %parallel_loop3A_607 = arith.mulf %parallel_loop3A_605, %parallel_loop3A_606 : vector<16xf32>
        %parallel_loop3A_608 = arith.addf %parallel_loop3A_607, %get3A_432 : vector<16xf32>
        tpu.vector_store_idx %arg14[%add3A_444, %select_n3A_43, %parallel_loop3A_584], %parallel_loop3A_608 : memref<8x8x129xf32, #tpu.memory_space<vmem>>[vector<16xi32>, vector<16xi32>, vector<16xi32>], vector<16xf32>,
      } {sc.loop_unroll_factor = 4 : i64, sc.parallel_access}
      %add3A_448 = arith.constant 4 : i32
      %add3A_449 = arith.addi %add3A_369, %add3A_448 : i32
      %lt3A_450 = arith.constant 200 : i32
      %lt3A_451 = arith.cmpi slt, %add3A_449, %lt3A_450 : i32
      %convert_element_type3A_452 = arith.extui %lt3A_451 : i1 to i32
      %cond3A_453 = arith.constant 0 : i32
      %cond3A_454 = arith.cmpi ne, %convert_element_type3A_452, %cond3A_453 : i32
      scf.if %cond3A_454 {
        %add3A_580 = arith.constant 4 : i32
        %add3A_581 = arith.addi %add3A_369, %add3A_580 : i32
        %jit3A_582 = arith.constant 8 : i32
        %div3A_583 = arith.divsi %add3A_581, %jit3A_582 : i32
        %sign3A_584 = arith.constant 0 : i32
        %sign3A_585 = arith.cmpi sgt, %add3A_581, %sign3A_584 : i32
        %sign3A_586 = arith.extui %sign3A_585 : i1 to i32
        %sign3A_587 = arith.constant 0 : i32
        %sign3A_588 = arith.cmpi slt, %add3A_581, %sign3A_587 : i32
        %sign3A_589 = arith.extui %sign3A_588 : i1 to i32
        %sign3A_590 = arith.subi %sign3A_586, %sign3A_589 : i32
        %sign3A_591 = arith.constant 0 : i32
        %sign3A_592 = arith.cmpi sgt, %jit3A_582, %sign3A_591 : i32
        %sign3A_593 = arith.extui %sign3A_592 : i1 to i32
        %sign3A_594 = arith.constant 0 : i32
        %sign3A_595 = arith.cmpi slt, %jit3A_582, %sign3A_594 : i32
        %sign3A_596 = arith.extui %sign3A_595 : i1 to i32
        %sign3A_597 = arith.subi %sign3A_593, %sign3A_596 : i32
        %ne3A_598 = arith.cmpi ne, %sign3A_590, %sign3A_597 : i32
        %rem3A_599 = arith.remsi %add3A_581, %jit3A_582 : i32
        %ne3A_600 = arith.constant 0 : i32
        %ne3A_601 = arith.cmpi ne, %rem3A_599, %ne3A_600 : i32
        %and3A_602 = arith.andi %ne3A_598, %ne3A_601 : i1
        %sub3A_603 = arith.constant 1 : i32
        %sub3A_604 = arith.subi %div3A_583, %sub3A_603 : i32
        %select_n3A_605 = arith.select %and3A_602, %sub3A_604, %div3A_583 : i32
        %jit3A_606 = arith.constant 8 : i32
        %eq3A_607 = arith.constant 0 : i32
        %eq3A_608 = arith.cmpi eq, %jit3A_606, %eq3A_607 : i32
        %jit3A_609 = arith.constant 1 : i32
        %select_n3A_610 = arith.select %eq3A_608, %jit3A_609, %jit3A_606 : i32
        %rem3A_611 = arith.remsi %add3A_581, %select_n3A_610 : i32
        %ne3A_612 = arith.constant 0 : i32
        %ne3A_613 = arith.cmpi ne, %rem3A_611, %ne3A_612 : i32
        %lt3A_614 = arith.constant 0 : i32
        %lt3A_615 = arith.cmpi slt, %rem3A_611, %lt3A_614 : i32
        %lt3A_616 = arith.constant 0 : i32
        %lt3A_617 = arith.cmpi slt, %select_n3A_610, %lt3A_616 : i32
        %ne3A_618 = arith.xori %lt3A_615, %lt3A_617 : i1
        %and3A_619 = arith.andi %ne3A_618, %ne3A_613 : i1
        %add3A_620 = arith.addi %rem3A_611, %select_n3A_610 : i32
        %select_n3A_621 = arith.select %and3A_619, %add3A_620, %rem3A_611 : i32
        %dma_start3A_622 = arith.constant 0 : i32
        %dma_start3A_623 = tpu.memref_slice %arg6[%select_n3A_605, %select_n3A_621, %dma_start3A_622] : memref<25x8x128xi32, #tpu.memory_space<vmem>> -> memref<1x1x128xi32, #tpu.memory_space<vmem>>
        %dma_start3A_624 = tpu.memref_squeeze %dma_start3A_623 : memref<1x1x128xi32, #tpu.memory_space<vmem>> -> memref<128xi32, #tpu.memory_space<vmem>>
        %dma_start3A_625 = arith.constant 0 : i32
        %dma_start3A_626 = arith.constant 0 : i32
        %dma_start3A_627 = tpu.memref_slice %arg3[%dma_start3A_625, %dma_start3A_626] : memref<100000x64xf32, #tpu.memory_space<hbm>> -> memref<100000x64xf32, #tpu.memory_space<hbm>>
        tpu.enqueue_indirect_dma source(%dma_start3A_627 : memref<100000x64xf32, #tpu.memory_space<hbm>>) target(%arg10 : memref<128x64xf32, #tpu.memory_space<vmem>>) offsets(%dma_start3A_624 : memref<128xi32, #tpu.memory_space<vmem>>) semaphore(%arg18 : memref<!tpu.dma_semaphore, #tpu.memory_space<semaphore_mem>>)
      } else {
      }
      %dma_start3A_455 = arith.constant 0 : i32
      %dma_start3A_456 = arith.constant 0 : i32
      %dma_start3A_457 = arith.constant 0 : i32
      %dma_start3A_458 = tpu.memref_slice %arg14[%dma_start3A_455, %dma_start3A_456, %dma_start3A_457] : memref<8x8x129xf32, #tpu.memory_space<vmem>> -> memref<8x8x128xf32, #tpu.memory_space<vmem>>
      %dma_start3A_459 = arith.constant 0 : i32
      %dma_start3A_460 = arith.constant 0 : i32
      %dma_start3A_461 = arith.constant 0 : i32
      %dma_start3A_462 = tpu.memref_slice %arg5[%add3A_369, %dma_start3A_459, %add3A, %dma_start3A_460, %dma_start3A_461] : memref<200x8x32x8x128xf32, #tpu.memory_space<hbm>> -> memref<1x8x1x8x128xf32, #tpu.memory_space<hbm>>
      %dma_start3A_463 = tpu.memref_squeeze %dma_start3A_462 : memref<1x8x1x8x128xf32, #tpu.memory_space<hbm>> -> memref<8x8x128xf32, #tpu.memory_space<hbm>>
      %dma_start3A_464 = arith.constant 0 : i32
      %dma_start3A_465 = arith.constant 0 : i32
      %dma_start3A_466 = arith.constant 0 : i32
      %dma_start3A_467 = tpu.memref_slice %arg5[%add3A_369, %dma_start3A_464, %add3A, %dma_start3A_465, %dma_start3A_466] : memref<200x8x32x8x128xf32, #tpu.memory_space<hbm>> -> memref<1x8x1x8x128xf32, #tpu.memory_space<hbm>>
      %dma_start3A_468 = tpu.memref_squeeze %dma_start3A_467 : memref<1x8x1x8x128xf32, #tpu.memory_space<hbm>> -> memref<8x8x128xf32, #tpu.memory_space<hbm>>
      %dma_start3A_469 = arith.constant 0 : i32
      %dma_start3A_470 = arith.constant 0 : i32
      %dma_start3A_471 = arith.constant 0 : i32
      %dma_start3A_472 = tpu.memref_slice %arg14[%dma_start3A_469, %dma_start3A_470, %dma_start3A_471] : memref<8x8x129xf32, #tpu.memory_space<vmem>> -> memref<8x8x128xf32, #tpu.memory_space<vmem>>
      tpu.enqueue_dma source(%dma_start3A_472 : memref<8x8x128xf32, #tpu.memory_space<vmem>>) target(%dma_start3A_468 : memref<8x8x128xf32, #tpu.memory_space<hbm>>) target_semaphore(%arg22 : memref<!tpu.dma_semaphore, #tpu.memory_space<semaphore_mem>>)
      %mul3A_473 = arith.constant 4 : i32
      %mul3A_474 = arith.muli %scan3A_156, %mul3A_473 : i32
      %add3A_475 = arith.constant 3 : i32
      %add3A_476 = arith.addi %mul3A_474, %add3A_475 : i32
      %jit3A_477 = arith.constant 8 : i32
      %div3A_478 = arith.divsi %add3A_476, %jit3A_477 : i32
      %sign3A_479 = arith.constant 0 : i32
      %sign3A_480 = arith.cmpi sgt, %add3A_476, %sign3A_479 : i32
      %sign3A_481 = arith.extui %sign3A_480 : i1 to i32
      %sign3A_482 = arith.constant 0 : i32
      %sign3A_483 = arith.cmpi slt, %add3A_476, %sign3A_482 : i32
      %sign3A_484 = arith.extui %sign3A_483 : i1 to i32
      %sign3A_485 = arith.subi %sign3A_481, %sign3A_484 : i32
      %sign3A_486 = arith.constant 0 : i32
      %sign3A_487 = arith.cmpi sgt, %jit3A_477, %sign3A_486 : i32
      %sign3A_488 = arith.extui %sign3A_487 : i1 to i32
      %sign3A_489 = arith.constant 0 : i32
      %sign3A_490 = arith.cmpi slt, %jit3A_477, %sign3A_489 : i32
      %sign3A_491 = arith.extui %sign3A_490 : i1 to i32
      %sign3A_492 = arith.subi %sign3A_488, %sign3A_491 : i32
      %ne3A_493 = arith.cmpi ne, %sign3A_485, %sign3A_492 : i32
      %rem3A_494 = arith.remsi %add3A_476, %jit3A_477 : i32
      %ne3A_495 = arith.constant 0 : i32
      %ne3A_496 = arith.cmpi ne, %rem3A_494, %ne3A_495 : i32
      %and3A_497 = arith.andi %ne3A_493, %ne3A_496 : i1
      %sub3A_498 = arith.constant 1 : i32
      %sub3A_499 = arith.subi %div3A_478, %sub3A_498 : i32
      %select_n3A_500 = arith.select %and3A_497, %sub3A_499, %div3A_478 : i32
      %jit3A_501 = arith.constant 8 : i32
      %eq3A_502 = arith.constant 0 : i32
      %eq3A_503 = arith.cmpi eq, %jit3A_501, %eq3A_502 : i32
      %jit3A_504 = arith.constant 1 : i32
      %select_n3A_505 = arith.select %eq3A_503, %jit3A_504, %jit3A_501 : i32
      %rem3A_506 = arith.remsi %add3A_476, %select_n3A_505 : i32
      %ne3A_507 = arith.constant 0 : i32
      %ne3A_508 = arith.cmpi ne, %rem3A_506, %ne3A_507 : i32
      %lt3A_509 = arith.constant 0 : i32
      %lt3A_510 = arith.cmpi slt, %rem3A_506, %lt3A_509 : i32
      %lt3A_511 = arith.constant 0 : i32
      %lt3A_512 = arith.cmpi slt, %select_n3A_505, %lt3A_511 : i32
      %ne3A_513 = arith.xori %lt3A_510, %lt3A_512 : i1
      %and3A_514 = arith.andi %ne3A_513, %ne3A_508 : i1
      %add3A_515 = arith.addi %rem3A_506, %select_n3A_505 : i32
      %select_n3A_516 = arith.select %and3A_514, %add3A_515, %rem3A_506 : i32
      %dma_wait3A_517 = arith.constant 0 : i32
      %dma_wait3A_518 = tpu.memref_slice %arg6[%select_n3A_500, %select_n3A_516, %dma_wait3A_517] : memref<25x8x128xi32, #tpu.memory_space<vmem>> -> memref<1x1x128xi32, #tpu.memory_space<vmem>>
      %dma_wait3A_519 = tpu.memref_squeeze %dma_wait3A_518 : memref<1x1x128xi32, #tpu.memory_space<vmem>> -> memref<128xi32, #tpu.memory_space<vmem>>
      %dma_wait3A_520 = arith.constant 0 : i32
      %dma_wait3A_521 = arith.constant 0 : i32
      %dma_wait3A_522 = tpu.memref_slice %arg3[%dma_wait3A_520, %dma_wait3A_521] : memref<100000x64xf32, #tpu.memory_space<hbm>> -> memref<100000x64xf32, #tpu.memory_space<hbm>>
      tpu.wait_indirect_dma semaphore(%arg19 : memref<!tpu.dma_semaphore, #tpu.memory_space<semaphore_mem>>) src(%dma_wait3A_522 : memref<100000x64xf32, #tpu.memory_space<hbm>>) dst(%arg11 : memref<128x64xf32, #tpu.memory_space<vmem>>)
      %ge3A_523 = arith.constant 4 : i32
      %ge3A_524 = arith.cmpi sge, %add3A_476, %ge3A_523 : i32
      %convert_element_type3A_525 = arith.extui %ge3A_524 : i1 to i32
      %cond3A_526 = arith.constant 0 : i32
      %cond3A_527 = arith.cmpi ne, %convert_element_type3A_525, %cond3A_526 : i32
      scf.if %cond3A_527 {
        %dma_wait3A_580 = arith.constant 0 : i32
        %dma_wait3A_581 = arith.constant 0 : i32
        %dma_wait3A_582 = arith.constant 0 : i32
        %dma_wait3A_583 = arith.constant 0 : i32
        %dma_wait3A_584 = tpu.memref_slice %arg15[%dma_wait3A_581, %dma_wait3A_582, %dma_wait3A_583] : memref<8x8x129xf32, #tpu.memory_space<vmem>> -> memref<8x8x128xf32, #tpu.memory_space<vmem>>
        %dma_wait3A_585 = arith.constant 0 : i32
        %dma_wait3A_586 = arith.constant 0 : i32
        %dma_wait3A_587 = arith.constant 0 : i32
        %dma_wait3A_588 = tpu.memref_slice %arg5[%dma_wait3A_580, %dma_wait3A_585, %add3A, %dma_wait3A_586, %dma_wait3A_587] : memref<200x8x32x8x128xf32, #tpu.memory_space<hbm>> -> memref<1x8x1x8x128xf32, #tpu.memory_space<hbm>>
        %dma_wait3A_589 = tpu.memref_squeeze %dma_wait3A_588 : memref<1x8x1x8x128xf32, #tpu.memory_space<hbm>> -> memref<8x8x128xf32, #tpu.memory_space<hbm>>
        %dma_wait3A_590 = arith.constant 0 : i32
        %dma_wait3A_591 = arith.constant 0 : i32
        %dma_wait3A_592 = arith.constant 0 : i32
        %dma_wait3A_593 = tpu.memref_slice %arg5[%dma_wait3A_580, %dma_wait3A_590, %add3A, %dma_wait3A_591, %dma_wait3A_592] : memref<200x8x32x8x128xf32, #tpu.memory_space<hbm>> -> memref<1x8x1x8x128xf32, #tpu.memory_space<hbm>>
        %dma_wait3A_594 = tpu.memref_squeeze %dma_wait3A_593 : memref<1x8x1x8x128xf32, #tpu.memory_space<hbm>> -> memref<8x8x128xf32, #tpu.memory_space<hbm>>
        %dma_wait3A_595 = arith.constant 0 : i32
        %dma_wait3A_596 = arith.constant 0 : i32
        %dma_wait3A_597 = arith.constant 0 : i32
        %dma_wait3A_598 = tpu.memref_slice %arg15[%dma_wait3A_595, %dma_wait3A_596, %dma_wait3A_597] : memref<8x8x129xf32, #tpu.memory_space<vmem>> -> memref<8x8x128xf32, #tpu.memory_space<vmem>>
        tpu.wait_dma2 semaphore(%arg23 : memref<!tpu.dma_semaphore, #tpu.memory_space<semaphore_mem>>) src(%dma_wait3A_598 : memref<8x8x128xf32, #tpu.memory_space<vmem>>) dst(%dma_wait3A_594 : memref<8x8x128xf32, #tpu.memory_space<hbm>>)
      } else {
      }
      %get3A_528 = arith.index_cast %add3A_476 : i32 to index
      %get3A_529 = arith.constant 0 : index
      %get3A_530 = tpu.vector_load %arg7[%get3A_528, %get3A_529] {strides = array<i32>} : memref<200x64xf32, #tpu.memory_space<vmem>>, vector<16xf32>,
      %get3A_531 = arith.index_cast %add3A_476 : i32 to index
      %get3A_532 = arith.constant 16 : index
      %get3A_533 = tpu.vector_load %arg7[%get3A_531, %get3A_532] {strides = array<i32>} : memref<200x64xf32, #tpu.memory_space<vmem>>, vector<16xf32>,
      %get3A_534 = arith.index_cast %add3A_476 : i32 to index
      %get3A_535 = arith.constant 32 : index
      %get3A_536 = tpu.vector_load %arg7[%get3A_534, %get3A_535] {strides = array<i32>} : memref<200x64xf32, #tpu.memory_space<vmem>>, vector<16xf32>,
      %get3A_537 = arith.index_cast %add3A_476 : i32 to index
      %get3A_538 = arith.constant 48 : index
      %get3A_539 = tpu.vector_load %arg7[%get3A_537, %get3A_538] {strides = array<i32>} : memref<200x64xf32, #tpu.memory_space<vmem>>, vector<16xf32>,
      %add3A_540 = arith.constant 0 : i32
      %add3A_541 = vector.broadcast %add3A_540 : i32 to vector<16xi32>
      %add3A_542 = arith.addi %add3A_541, %select_n3A : vector<16xi32>
      %add3A_543 = arith.constant 2 : i32
      %add3A_544 = vector.broadcast %add3A_543 : i32 to vector<16xi32>
      %add3A_545 = arith.addi %add3A_544, %select_n3A : vector<16xi32>
      %add3A_546 = arith.constant 4 : i32
      %add3A_547 = vector.broadcast %add3A_546 : i32 to vector<16xi32>
      %add3A_548 = arith.addi %add3A_547, %select_n3A : vector<16xi32>
      %add3A_549 = arith.constant 6 : i32
      %add3A_550 = vector.broadcast %add3A_549 : i32 to vector<16xi32>
      %add3A_551 = arith.addi %add3A_550, %select_n3A : vector<16xi32>
      %parallel_loop3A_552 = arith.constant 0 : i32
      %parallel_loop3A_553 = arith.constant 128 : i32
      %parallel_loop3A_554 = arith.constant 1 : i32
      scf.for %parallel_loop3A_580 = %parallel_loop3A_552 to %parallel_loop3A_553 step %parallel_loop3A_554  : i32 {
        %parallel_loop3A_581 = arith.constant 0 : i32
        %parallel_loop3A_582 = vector.broadcast %parallel_loop3A_581 : i32 to vector<16xi32>
        %parallel_loop3A_583 = vector.broadcast %parallel_loop3A_580 : i32 to vector<16xi32>
        %parallel_loop3A_584 = arith.addi %parallel_loop3A_582, %parallel_loop3A_583 : vector<16xi32>
        %parallel_loop3A_585 = arith.index_cast %parallel_loop3A_580 : i32 to index
        %parallel_loop3A_586 = arith.constant 0 : index
        %parallel_loop3A_587 = tpu.vector_load %arg11[%parallel_loop3A_585, %parallel_loop3A_586] {strides = array<i32>} : memref<128x64xf32, #tpu.memory_space<vmem>>, vector<16xf32>,
        %parallel_loop3A_588 = vector.broadcast %scan3A_75 : f32 to vector<16xf32>
        %parallel_loop3A_589 = arith.mulf %parallel_loop3A_587, %parallel_loop3A_588 : vector<16xf32>
        %parallel_loop3A_590 = arith.addf %parallel_loop3A_589, %get3A_530 : vector<16xf32>
        tpu.vector_store_idx %arg15[%add3A_542, %select_n3A_43, %parallel_loop3A_584], %parallel_loop3A_590 : memref<8x8x129xf32, #tpu.memory_space<vmem>>[vector<16xi32>, vector<16xi32>, vector<16xi32>], vector<16xf32>,
        %parallel_loop3A_591 = arith.index_cast %parallel_loop3A_580 : i32 to index
        %parallel_loop3A_592 = arith.constant 16 : index
        %parallel_loop3A_593 = tpu.vector_load %arg11[%parallel_loop3A_591, %parallel_loop3A_592] {strides = array<i32>} : memref<128x64xf32, #tpu.memory_space<vmem>>, vector<16xf32>,
        %parallel_loop3A_594 = vector.broadcast %scan3A_75 : f32 to vector<16xf32>
        %parallel_loop3A_595 = arith.mulf %parallel_loop3A_593, %parallel_loop3A_594 : vector<16xf32>
        %parallel_loop3A_596 = arith.addf %parallel_loop3A_595, %get3A_533 : vector<16xf32>
        tpu.vector_store_idx %arg15[%add3A_545, %select_n3A_43, %parallel_loop3A_584], %parallel_loop3A_596 : memref<8x8x129xf32, #tpu.memory_space<vmem>>[vector<16xi32>, vector<16xi32>, vector<16xi32>], vector<16xf32>,
        %parallel_loop3A_597 = arith.index_cast %parallel_loop3A_580 : i32 to index
        %parallel_loop3A_598 = arith.constant 32 : index
        %parallel_loop3A_599 = tpu.vector_load %arg11[%parallel_loop3A_597, %parallel_loop3A_598] {strides = array<i32>} : memref<128x64xf32, #tpu.memory_space<vmem>>, vector<16xf32>,
        %parallel_loop3A_600 = vector.broadcast %scan3A_75 : f32 to vector<16xf32>
        %parallel_loop3A_601 = arith.mulf %parallel_loop3A_599, %parallel_loop3A_600 : vector<16xf32>
        %parallel_loop3A_602 = arith.addf %parallel_loop3A_601, %get3A_536 : vector<16xf32>
        tpu.vector_store_idx %arg15[%add3A_548, %select_n3A_43, %parallel_loop3A_584], %parallel_loop3A_602 : memref<8x8x129xf32, #tpu.memory_space<vmem>>[vector<16xi32>, vector<16xi32>, vector<16xi32>], vector<16xf32>,
        %parallel_loop3A_603 = arith.index_cast %parallel_loop3A_580 : i32 to index
        %parallel_loop3A_604 = arith.constant 48 : index
        %parallel_loop3A_605 = tpu.vector_load %arg11[%parallel_loop3A_603, %parallel_loop3A_604] {strides = array<i32>} : memref<128x64xf32, #tpu.memory_space<vmem>>, vector<16xf32>,
        %parallel_loop3A_606 = vector.broadcast %scan3A_75 : f32 to vector<16xf32>
        %parallel_loop3A_607 = arith.mulf %parallel_loop3A_605, %parallel_loop3A_606 : vector<16xf32>
        %parallel_loop3A_608 = arith.addf %parallel_loop3A_607, %get3A_539 : vector<16xf32>
        tpu.vector_store_idx %arg15[%add3A_551, %select_n3A_43, %parallel_loop3A_584], %parallel_loop3A_608 : memref<8x8x129xf32, #tpu.memory_space<vmem>>[vector<16xi32>, vector<16xi32>, vector<16xi32>], vector<16xf32>,
      } {sc.loop_unroll_factor = 4 : i64, sc.parallel_access}
      %add3A_555 = arith.constant 4 : i32
      %add3A_556 = arith.addi %add3A_476, %add3A_555 : i32
      %lt3A_557 = arith.constant 200 : i32
      %lt3A_558 = arith.cmpi slt, %add3A_556, %lt3A_557 : i32
      %convert_element_type3A_559 = arith.extui %lt3A_558 : i1 to i32
      %cond3A_560 = arith.constant 0 : i32
      %cond3A_561 = arith.cmpi ne, %convert_element_type3A_559, %cond3A_560 : i32
      scf.if %cond3A_561 {
        %add3A_580 = arith.constant 4 : i32
        %add3A_581 = arith.addi %add3A_476, %add3A_580 : i32
        %jit3A_582 = arith.constant 8 : i32
        %div3A_583 = arith.divsi %add3A_581, %jit3A_582 : i32
        %sign3A_584 = arith.constant 0 : i32
        %sign3A_585 = arith.cmpi sgt, %add3A_581, %sign3A_584 : i32
        %sign3A_586 = arith.extui %sign3A_585 : i1 to i32
        %sign3A_587 = arith.constant 0 : i32
        %sign3A_588 = arith.cmpi slt, %add3A_581, %sign3A_587 : i32
        %sign3A_589 = arith.extui %sign3A_588 : i1 to i32
        %sign3A_590 = arith.subi %sign3A_586, %sign3A_589 : i32
        %sign3A_591 = arith.constant 0 : i32
        %sign3A_592 = arith.cmpi sgt, %jit3A_582, %sign3A_591 : i32
        %sign3A_593 = arith.extui %sign3A_592 : i1 to i32
        %sign3A_594 = arith.constant 0 : i32
        %sign3A_595 = arith.cmpi slt, %jit3A_582, %sign3A_594 : i32
        %sign3A_596 = arith.extui %sign3A_595 : i1 to i32
        %sign3A_597 = arith.subi %sign3A_593, %sign3A_596 : i32
        %ne3A_598 = arith.cmpi ne, %sign3A_590, %sign3A_597 : i32
        %rem3A_599 = arith.remsi %add3A_581, %jit3A_582 : i32
        %ne3A_600 = arith.constant 0 : i32
        %ne3A_601 = arith.cmpi ne, %rem3A_599, %ne3A_600 : i32
        %and3A_602 = arith.andi %ne3A_598, %ne3A_601 : i1
        %sub3A_603 = arith.constant 1 : i32
        %sub3A_604 = arith.subi %div3A_583, %sub3A_603 : i32
        %select_n3A_605 = arith.select %and3A_602, %sub3A_604, %div3A_583 : i32
        %jit3A_606 = arith.constant 8 : i32
        %eq3A_607 = arith.constant 0 : i32
        %eq3A_608 = arith.cmpi eq, %jit3A_606, %eq3A_607 : i32
        %jit3A_609 = arith.constant 1 : i32
        %select_n3A_610 = arith.select %eq3A_608, %jit3A_609, %jit3A_606 : i32
        %rem3A_611 = arith.remsi %add3A_581, %select_n3A_610 : i32
        %ne3A_612 = arith.constant 0 : i32
        %ne3A_613 = arith.cmpi ne, %rem3A_611, %ne3A_612 : i32
        %lt3A_614 = arith.constant 0 : i32
        %lt3A_615 = arith.cmpi slt, %rem3A_611, %lt3A_614 : i32
        %lt3A_616 = arith.constant 0 : i32
        %lt3A_617 = arith.cmpi slt, %select_n3A_610, %lt3A_616 : i32
        %ne3A_618 = arith.xori %lt3A_615, %lt3A_617 : i1
        %and3A_619 = arith.andi %ne3A_618, %ne3A_613 : i1
        %add3A_620 = arith.addi %rem3A_611, %select_n3A_610 : i32
        %select_n3A_621 = arith.select %and3A_619, %add3A_620, %rem3A_611 : i32
        %dma_start3A_622 = arith.constant 0 : i32
        %dma_start3A_623 = tpu.memref_slice %arg6[%select_n3A_605, %select_n3A_621, %dma_start3A_622] : memref<25x8x128xi32, #tpu.memory_space<vmem>> -> memref<1x1x128xi32, #tpu.memory_space<vmem>>
        %dma_start3A_624 = tpu.memref_squeeze %dma_start3A_623 : memref<1x1x128xi32, #tpu.memory_space<vmem>> -> memref<128xi32, #tpu.memory_space<vmem>>
        %dma_start3A_625 = arith.constant 0 : i32
        %dma_start3A_626 = arith.constant 0 : i32
        %dma_start3A_627 = tpu.memref_slice %arg3[%dma_start3A_625, %dma_start3A_626] : memref<100000x64xf32, #tpu.memory_space<hbm>> -> memref<100000x64xf32, #tpu.memory_space<hbm>>
        tpu.enqueue_indirect_dma source(%dma_start3A_627 : memref<100000x64xf32, #tpu.memory_space<hbm>>) target(%arg11 : memref<128x64xf32, #tpu.memory_space<vmem>>) offsets(%dma_start3A_624 : memref<128xi32, #tpu.memory_space<vmem>>) semaphore(%arg19 : memref<!tpu.dma_semaphore, #tpu.memory_space<semaphore_mem>>)
      } else {
      }
      %dma_start3A_562 = arith.constant 0 : i32
      %dma_start3A_563 = arith.constant 0 : i32
      %dma_start3A_564 = arith.constant 0 : i32
      %dma_start3A_565 = tpu.memref_slice %arg15[%dma_start3A_562, %dma_start3A_563, %dma_start3A_564] : memref<8x8x129xf32, #tpu.memory_space<vmem>> -> memref<8x8x128xf32, #tpu.memory_space<vmem>>
      %dma_start3A_566 = arith.constant 0 : i32
      %dma_start3A_567 = arith.constant 0 : i32
      %dma_start3A_568 = arith.constant 0 : i32
      %dma_start3A_569 = tpu.memref_slice %arg5[%add3A_476, %dma_start3A_566, %add3A, %dma_start3A_567, %dma_start3A_568] : memref<200x8x32x8x128xf32, #tpu.memory_space<hbm>> -> memref<1x8x1x8x128xf32, #tpu.memory_space<hbm>>
      %dma_start3A_570 = tpu.memref_squeeze %dma_start3A_569 : memref<1x8x1x8x128xf32, #tpu.memory_space<hbm>> -> memref<8x8x128xf32, #tpu.memory_space<hbm>>
      %dma_start3A_571 = arith.constant 0 : i32
      %dma_start3A_572 = arith.constant 0 : i32
      %dma_start3A_573 = arith.constant 0 : i32
      %dma_start3A_574 = tpu.memref_slice %arg5[%add3A_476, %dma_start3A_571, %add3A, %dma_start3A_572, %dma_start3A_573] : memref<200x8x32x8x128xf32, #tpu.memory_space<hbm>> -> memref<1x8x1x8x128xf32, #tpu.memory_space<hbm>>
      %dma_start3A_575 = tpu.memref_squeeze %dma_start3A_574 : memref<1x8x1x8x128xf32, #tpu.memory_space<hbm>> -> memref<8x8x128xf32, #tpu.memory_space<hbm>>
      %dma_start3A_576 = arith.constant 0 : i32
      %dma_start3A_577 = arith.constant 0 : i32
      %dma_start3A_578 = arith.constant 0 : i32
      %dma_start3A_579 = tpu.memref_slice %arg15[%dma_start3A_576, %dma_start3A_577, %dma_start3A_578] : memref<8x8x129xf32, #tpu.memory_space<vmem>> -> memref<8x8x128xf32, #tpu.memory_space<vmem>>
      tpu.enqueue_dma source(%dma_start3A_579 : memref<8x8x128xf32, #tpu.memory_space<vmem>>) target(%dma_start3A_575 : memref<8x8x128xf32, #tpu.memory_space<hbm>>) target_semaphore(%arg23 : memref<!tpu.dma_semaphore, #tpu.memory_space<semaphore_mem>>)
    }
    %scan3A_80 = arith.constant 50 : i32
    %dma_wait3A = arith.constant 0 : i32
    %dma_wait3A_81 = arith.constant 0 : i32
    %dma_wait3A_82 = arith.constant 0 : i32
    %dma_wait3A_83 = arith.constant 0 : i32
    %dma_wait3A_84 = tpu.memref_slice %arg12[%dma_wait3A_81, %dma_wait3A_82, %dma_wait3A_83] : memref<8x8x129xf32, #tpu.memory_space<vmem>> -> memref<8x8x128xf32, #tpu.memory_space<vmem>>
    %dma_wait3A_85 = arith.constant 0 : i32
    %dma_wait3A_86 = arith.constant 0 : i32
    %dma_wait3A_87 = arith.constant 0 : i32
    %dma_wait3A_88 = tpu.memref_slice %arg5[%dma_wait3A, %dma_wait3A_85, %add3A, %dma_wait3A_86, %dma_wait3A_87] : memref<200x8x32x8x128xf32, #tpu.memory_space<hbm>> -> memref<1x8x1x8x128xf32, #tpu.memory_space<hbm>>
    %dma_wait3A_89 = tpu.memref_squeeze %dma_wait3A_88 : memref<1x8x1x8x128xf32, #tpu.memory_space<hbm>> -> memref<8x8x128xf32, #tpu.memory_space<hbm>>
    %dma_wait3A_90 = arith.constant 0 : i32
    %dma_wait3A_91 = arith.constant 0 : i32
    %dma_wait3A_92 = arith.constant 0 : i32
    %dma_wait3A_93 = tpu.memref_slice %arg5[%dma_wait3A, %dma_wait3A_90, %add3A, %dma_wait3A_91, %dma_wait3A_92] : memref<200x8x32x8x128xf32, #tpu.memory_space<hbm>> -> memref<1x8x1x8x128xf32, #tpu.memory_space<hbm>>
    %dma_wait3A_94 = tpu.memref_squeeze %dma_wait3A_93 : memref<1x8x1x8x128xf32, #tpu.memory_space<hbm>> -> memref<8x8x128xf32, #tpu.memory_space<hbm>>
    %dma_wait3A_95 = arith.constant 0 : i32
    %dma_wait3A_96 = arith.constant 0 : i32
    %dma_wait3A_97 = arith.constant 0 : i32
    %dma_wait3A_98 = tpu.memref_slice %arg12[%dma_wait3A_95, %dma_wait3A_96, %dma_wait3A_97] : memref<8x8x129xf32, #tpu.memory_space<vmem>> -> memref<8x8x128xf32, #tpu.memory_space<vmem>>
    tpu.wait_dma2 semaphore(%arg20 : memref<!tpu.dma_semaphore, #tpu.memory_space<semaphore_mem>>) src(%dma_wait3A_98 : memref<8x8x128xf32, #tpu.memory_space<vmem>>) dst(%dma_wait3A_94 : memref<8x8x128xf32, #tpu.memory_space<hbm>>)
    %dma_wait3A_99 = arith.constant 0 : i32
    %dma_wait3A_100 = arith.constant 0 : i32
    %dma_wait3A_101 = arith.constant 0 : i32
    %dma_wait3A_102 = arith.constant 0 : i32
    %dma_wait3A_103 = tpu.memref_slice %arg13[%dma_wait3A_100, %dma_wait3A_101, %dma_wait3A_102] : memref<8x8x129xf32, #tpu.memory_space<vmem>> -> memref<8x8x128xf32, #tpu.memory_space<vmem>>
    %dma_wait3A_104 = arith.constant 0 : i32
    %dma_wait3A_105 = arith.constant 0 : i32
    %dma_wait3A_106 = arith.constant 0 : i32
    %dma_wait3A_107 = tpu.memref_slice %arg5[%dma_wait3A_99, %dma_wait3A_104, %add3A, %dma_wait3A_105, %dma_wait3A_106] : memref<200x8x32x8x128xf32, #tpu.memory_space<hbm>> -> memref<1x8x1x8x128xf32, #tpu.memory_space<hbm>>
    %dma_wait3A_108 = tpu.memref_squeeze %dma_wait3A_107 : memref<1x8x1x8x128xf32, #tpu.memory_space<hbm>> -> memref<8x8x128xf32, #tpu.memory_space<hbm>>
    %dma_wait3A_109 = arith.constant 0 : i32
    %dma_wait3A_110 = arith.constant 0 : i32
    %dma_wait3A_111 = arith.constant 0 : i32
    %dma_wait3A_112 = tpu.memref_slice %arg5[%dma_wait3A_99, %dma_wait3A_109, %add3A, %dma_wait3A_110, %dma_wait3A_111] : memref<200x8x32x8x128xf32, #tpu.memory_space<hbm>> -> memref<1x8x1x8x128xf32, #tpu.memory_space<hbm>>
    %dma_wait3A_113 = tpu.memref_squeeze %dma_wait3A_112 : memref<1x8x1x8x128xf32, #tpu.memory_space<hbm>> -> memref<8x8x128xf32, #tpu.memory_space<hbm>>
    %dma_wait3A_114 = arith.constant 0 : i32
    %dma_wait3A_115 = arith.constant 0 : i32
    %dma_wait3A_116 = arith.constant 0 : i32
    %dma_wait3A_117 = tpu.memref_slice %arg13[%dma_wait3A_114, %dma_wait3A_115, %dma_wait3A_116] : memref<8x8x129xf32, #tpu.memory_space<vmem>> -> memref<8x8x128xf32, #tpu.memory_space<vmem>>
    tpu.wait_dma2 semaphore(%arg21 : memref<!tpu.dma_semaphore, #tpu.memory_space<semaphore_mem>>) src(%dma_wait3A_117 : memref<8x8x128xf32, #tpu.memory_space<vmem>>) dst(%dma_wait3A_113 : memref<8x8x128xf32, #tpu.memory_space<hbm>>)
    %dma_wait3A_118 = arith.constant 0 : i32
    %dma_wait3A_119 = arith.constant 0 : i32
    %dma_wait3A_120 = arith.constant 0 : i32
    %dma_wait3A_121 = arith.constant 0 : i32
    %dma_wait3A_122 = tpu.memref_slice %arg14[%dma_wait3A_119, %dma_wait3A_120, %dma_wait3A_121] : memref<8x8x129xf32, #tpu.memory_space<vmem>> -> memref<8x8x128xf32, #tpu.memory_space<vmem>>
    %dma_wait3A_123 = arith.constant 0 : i32
    %dma_wait3A_124 = arith.constant 0 : i32
    %dma_wait3A_125 = arith.constant 0 : i32
    %dma_wait3A_126 = tpu.memref_slice %arg5[%dma_wait3A_118, %dma_wait3A_123, %add3A, %dma_wait3A_124, %dma_wait3A_125] : memref<200x8x32x8x128xf32, #tpu.memory_space<hbm>> -> memref<1x8x1x8x128xf32, #tpu.memory_space<hbm>>
    %dma_wait3A_127 = tpu.memref_squeeze %dma_wait3A_126 : memref<1x8x1x8x128xf32, #tpu.memory_space<hbm>> -> memref<8x8x128xf32, #tpu.memory_space<hbm>>
    %dma_wait3A_128 = arith.constant 0 : i32
    %dma_wait3A_129 = arith.constant 0 : i32
    %dma_wait3A_130 = arith.constant 0 : i32
    %dma_wait3A_131 = tpu.memref_slice %arg5[%dma_wait3A_118, %dma_wait3A_128, %add3A, %dma_wait3A_129, %dma_wait3A_130] : memref<200x8x32x8x128xf32, #tpu.memory_space<hbm>> -> memref<1x8x1x8x128xf32, #tpu.memory_space<hbm>>
    %dma_wait3A_132 = tpu.memref_squeeze %dma_wait3A_131 : memref<1x8x1x8x128xf32, #tpu.memory_space<hbm>> -> memref<8x8x128xf32, #tpu.memory_space<hbm>>
    %dma_wait3A_133 = arith.constant 0 : i32
    %dma_wait3A_134 = arith.constant 0 : i32
    %dma_wait3A_135 = arith.constant 0 : i32
    %dma_wait3A_136 = tpu.memref_slice %arg14[%dma_wait3A_133, %dma_wait3A_134, %dma_wait3A_135] : memref<8x8x129xf32, #tpu.memory_space<vmem>> -> memref<8x8x128xf32, #tpu.memory_space<vmem>>
    tpu.wait_dma2 semaphore(%arg22 : memref<!tpu.dma_semaphore, #tpu.memory_space<semaphore_mem>>) src(%dma_wait3A_136 : memref<8x8x128xf32, #tpu.memory_space<vmem>>) dst(%dma_wait3A_132 : memref<8x8x128xf32, #tpu.memory_space<hbm>>)
    %dma_wait3A_137 = arith.constant 0 : i32
    %dma_wait3A_138 = arith.constant 0 : i32
    %dma_wait3A_139 = arith.constant 0 : i32
    %dma_wait3A_140 = arith.constant 0 : i32
    %dma_wait3A_141 = tpu.memref_slice %arg15[%dma_wait3A_138, %dma_wait3A_139, %dma_wait3A_140] : memref<8x8x129xf32, #tpu.memory_space<vmem>> -> memref<8x8x128xf32, #tpu.memory_space<vmem>>
    %dma_wait3A_142 = arith.constant 0 : i32
    %dma_wait3A_143 = arith.constant 0 : i32
    %dma_wait3A_144 = arith.constant 0 : i32
    %dma_wait3A_145 = tpu.memref_slice %arg5[%dma_wait3A_137, %dma_wait3A_142, %add3A, %dma_wait3A_143, %dma_wait3A_144] : memref<200x8x32x8x128xf32, #tpu.memory_space<hbm>> -> memref<1x8x1x8x128xf32, #tpu.memory_space<hbm>>
    %dma_wait3A_146 = tpu.memref_squeeze %dma_wait3A_145 : memref<1x8x1x8x128xf32, #tpu.memory_space<hbm>> -> memref<8x8x128xf32, #tpu.memory_space<hbm>>
    %dma_wait3A_147 = arith.constant 0 : i32
    %dma_wait3A_148 = arith.constant 0 : i32
    %dma_wait3A_149 = arith.constant 0 : i32
    %dma_wait3A_150 = tpu.memref_slice %arg5[%dma_wait3A_137, %dma_wait3A_147, %add3A, %dma_wait3A_148, %dma_wait3A_149] : memref<200x8x32x8x128xf32, #tpu.memory_space<hbm>> -> memref<1x8x1x8x128xf32, #tpu.memory_space<hbm>>
    %dma_wait3A_151 = tpu.memref_squeeze %dma_wait3A_150 : memref<1x8x1x8x128xf32, #tpu.memory_space<hbm>> -> memref<8x8x128xf32, #tpu.memory_space<hbm>>
    %dma_wait3A_152 = arith.constant 0 : i32
    %dma_wait3A_153 = arith.constant 0 : i32
    %dma_wait3A_154 = arith.constant 0 : i32
    %dma_wait3A_155 = tpu.memref_slice %arg15[%dma_wait3A_152, %dma_wait3A_153, %dma_wait3A_154] : memref<8x8x129xf32, #tpu.memory_space<vmem>> -> memref<8x8x128xf32, #tpu.memory_space<vmem>>
    tpu.wait_dma2 semaphore(%arg23 : memref<!tpu.dma_semaphore, #tpu.memory_space<semaphore_mem>>) src(%dma_wait3A_155 : memref<8x8x128xf32, #tpu.memory_space<vmem>>) dst(%dma_wait3A_151 : memref<8x8x128xf32, #tpu.memory_space<hbm>>)
    return
  }
}

</mosaic_0001>

<sc_bundles>
// kernel: kernel.3.cloned.1.call-start
scs
__scs_entry_jumppad:
0x0: {  	(pc) =	sbr.rel $0x88, $3  }
0x1: {  	(tag) =	ssettag $0x0;
	lr =	simm.s32 $0x1  }
0x2: {  	[smem:$0x3F9F] =	sst lr;
	_ =	strace $0xD0000000  }
0x3: {  	_ = 	snop  }
0x4: {  	_ = 	snop  }
0x5: {  	_ = 	snop  }
0x6: {  	_ = 	snop  }
0x7: {  	_ = 	snop  }
__scs_overlays_trampoline_lowered:
0x8: {  	[smem:$0x3FAE] =	sst s0  }
0x9: {  	[smem:$0x3FAF] =	sst s1  }
0xa: {  	[smem:$0x3FB0] =	sst s2  }
0xb: {  	[smem:$0x3FB1] =	sst s3  }
0xc: {  	[smem:$0x3FB2] =	sst s4  }
0xd: {  	[smem:$0x3FB3] =	sst s5  }
0xe: {  	[smem:$0x3FB4] =	sst s6  }
0xf: {  	[smem:$0x3FB5] =	sst s7  }
0x10: {  	[smem:$0x3FB6] =	sst s8  }
0x11: {  	[smem:$0x3FB7] =	sst s9;
	s0 =	simm.s32 @!p0 $0x0  }
0x12: {  	s1 =	sld [smem:$0x3F9D];
	s0 =	simm.s32 @p0 $0x1  }
0x13: {  	[smem:$0x3FB8] =	sst s0;
	s0 =	simm.s32 @!p1 $0x0  }
0x14: {  	s2 =	sld [smem:$0x3F9C];
	s0 =	simm.s32 @p1 $0x1  }
0x15: {  	[smem:$0x3FB9] =	sst s0;
	s0 =	simm.s32 @!p2 $0x0  }
0x16: {  	s3 =	sld [smem:$0x3FDB];
	s0 =	simm.s32 @p2 $0x1  }
0x17: {  	s4 =	simm.s32 $0x1BF5;
	[smem:$0x3FBB] =	sst s0  }
0x18: {  	s0 =	sld [smem:$0x3F9E];
	_ =	swait.ge [sflag:s4], $0x0  }
0x19: {  	s7 =	sld [smem:$0x3F9F]  }
0x1a: {  	s8 =	sadd.s32 $0xFFFFE003, lr  }
0x1b: {  	s9 =	sadd.s32 $0xFFFFFEF7, lr;
	s5 =	simm.s32 $0xFFFFFFFF;
	p2 =	slt.u32 s8, $0xFFFFF086  }
0x1c: {  	p1 =	slt.u32 s9, $0xF7A;
	s5 =	simm.s32 @!p2 $0x0  }
0x1d: {  	s5 =	simm.s32 @p1 $0x1;
	p0 =	seq.s32 s7, s2  }
0x1e: {  	s7 =	smul.u32 @!p0 $0xF7A, s2;
	p2 =	seq.s32 @!p0 s5, $0x0  }
0x1f: {  	s9 =	smul.u32 $0xF7A, s1;
	s8 =	simm.s32 @!p0 $0x1BF5;
	p2 =	por !p2, p0  }
0x20: {  	[sflag:s8] =	ssyncset.s32 @!p0 $0xFFFFF086;
	s6 =	sadd.s32 @!p0 s3, s7;
	s7 =	simm.s32 @!p0 $0x108  }
0x21: {  	s3 =	sadd.s32 s3, s9;
	s6 =	sadd.s32 @!p0 $0x88, s6;
	s7 =	simm.s32 @p2 $0x1082  }
0x22: {  	[simem:s7], [sflag:s8] =	dma.local @!p0 [hbm:s6], $0xF7A  }
0x23: {  	s9 =	sor.u32 $0xD0000000, s2;
	s6 =	simm.s32 $0x108;
	_ =	swait.ge @!p0 [sflag:s8], $0x0  }
0x24: {  	s3 =	sadd.s32 $0x88, s3;
	s6 =	simm.s32 @!p1 $0x1082;
	[sflag:s4] =	ssyncset.s32 $0xFFFFF086  }
0x25: {  	[simem:s6], [sflag:s4] =	dma.local [hbm:s3], $0xF7A  }
0x26: {  	[smem:$0x3F9F] =	sst s1;
	(tag) =	ssettag s2;
	_ =	strace s9  }
0x27: {  	s1 =	sld [smem:$0x3FAF]  }
0x28: {  	s2 =	sld [smem:$0x3FB0]  }
0x29: {  	s4 =	sld [smem:$0x3FB2]  }
0x2a: {  	p0 =	seq.s32 s5, $0x0;
	s5 =	sld [smem:$0x3FB3]  }
0x2b: {  	s6 =	sld [smem:$0x3FB4]  }
0x2c: {  	s7 =	sld [smem:$0x3FB5]  }
0x2d: {  	s3 =	simm.s32 $0x108;
	s8 =	sld [smem:$0x3FB6]  }
0x2e: {  	s3 =	simm.s32 @!p0 $0x1082;
	s9 =	sld [smem:$0x3FB7]  }
0x2f: {  	lr =	sadd.s32 s0, s3;
	s0 =	sld [smem:$0x3FAE]  }
0x30: {  	s3 =	sld [smem:$0x3FB1]  }
0x31: {  	[smem:$0x3FBA] =	sst s10  }
0x32: {  	s10 =	sld [smem:$0x3FB8];
	_ =	sdelay $0x3  }
0x33: {  	p0 =	seq.s32 s10, $0x1;
	s10 =	sld [smem:$0x3FBA];
	_ =	sdelay $0x3  }
0x34: {  	[smem:$0x3FBA] =	sst s10  }
0x35: {  	s10 =	sld [smem:$0x3FB9];
	_ =	sdelay $0x3  }
0x36: {  	p1 =	seq.s32 s10, $0x1;
	s10 =	sld [smem:$0x3FBA];
	_ =	sdelay $0x3  }
0x37: {  	[smem:$0x3FBA] =	sst s10  }
0x38: {  	s10 =	sld [smem:$0x3FBB]  }
0x39: {  	_ = 	snop;
	(pc) =	sbr.ind lr, $3  }
0x3a: {  	_ = 	snop  }
0x3b: {  	_ = 	snop  }
0x3c: {  	p2 =	seq.s32 s10, $0x1;
	s10 =	sld [smem:$0x3FBA]  }
0x3d: {  	_ =	shalt  }
0x3e: {  	_ =	shalt  }
0x3f: {  	_ =	shalt  }
0x40: {  	_ =	shalt  }
0x41: {  	_ =	shalt  }
0x42: {  	_ =	shalt  }
0x43: {  	_ =	shalt  }
0x44: {  	_ =	shalt  }
0x45: {  	_ =	shalt  }
0x46: {  	_ =	shalt  }
0x47: {  	_ =	shalt  }
0x48: {  	_ =	shalt  }
0x49: {  	_ =	shalt  }
0x4a: {  	_ =	shalt  }
0x4b: {  	_ =	shalt  }
0x4c: {  	_ =	shalt  }
0x4d: {  	_ =	shalt  }
0x4e: {  	_ =	shalt  }
0x4f: {  	_ =	shalt  }
0x50: {  	_ =	shalt  }
0x51: {  	_ =	shalt  }
0x52: {  	_ =	shalt  }
0x53: {  	_ =	shalt  }
0x54: {  	_ =	shalt  }
0x55: {  	_ =	shalt  }
0x56: {  	_ =	shalt  }
0x57: {  	_ =	shalt  }
0x58: {  	_ =	shalt  }
0x59: {  	_ =	shalt  }
0x5a: {  	_ =	shalt  }
0x5b: {  	_ =	shalt  }
0x5c: {  	_ =	shalt  }
0x5d: {  	_ =	shalt  }
0x5e: {  	_ =	shalt  }
0x5f: {  	_ =	shalt  }
0x60: {  	_ =	shalt  }
0x61: {  	_ =	shalt  }
0x62: {  	_ =	shalt  }
0x63: {  	_ =	shalt  }
0x64: {  	_ =	shalt  }
0x65: {  	_ =	shalt  }
0x66: {  	_ =	shalt  }
0x67: {  	_ =	shalt  }
0x68: {  	_ =	shalt  }
0x69: {  	_ =	shalt  }
0x6a: {  	_ =	shalt  }
0x6b: {  	_ =	shalt  }
0x6c: {  	_ =	shalt  }
0x6d: {  	_ =	shalt  }
0x6e: {  	_ =	shalt  }
0x6f: {  	_ =	shalt  }
0x70: {  	_ =	shalt  }
0x71: {  	_ =	shalt  }
0x72: {  	_ =	shalt  }
0x73: {  	_ =	shalt  }
0x74: {  	_ =	shalt  }
0x75: {  	_ =	shalt  }
0x76: {  	_ =	shalt  }
0x77: {  	_ =	shalt  }
0x78: {  	_ =	shalt  }
0x79: {  	_ =	shalt  }
0x7a: {  	_ =	shalt  }
0x7b: {  	_ =	shalt  }
0x7c: {  	_ =	shalt  }
0x7d: {  	_ =	shalt  }
0x7e: {  	_ =	shalt  }
0x7f: {  	_ =	shalt  }
0x80: {  	_ =	shalt  }
0x81: {  	_ =	shalt  }
0x82: {  	_ =	shalt  }
0x83: {  	_ =	shalt  }
0x84: {  	_ =	shalt  }
0x85: {  	_ =	shalt  }
0x86: {  	_ =	shalt  }
0x87: {  	_ =	shalt  }
.Lfunc_end0:
.L_simem_size_0:
called_computation_lowered:
.L_overlay_start_0:
0x88: {  	s2 =	sld [smem:$0x3FD9]  }
0x89: {  	s3 =	sld [smem:$0x3FFE];
	_ =	sdelay $0x1  }
0x8a: {  	s1 =	srdreg.scid  }
0x8b: {  	s0 =	sand.u32 $0x1, s1  }
0x8c: {  	s17 =	sshll.u32 s0, $0xA;
	s2 =	sadd.s32 s3, s2  }
0x8d: {  	s2 =	sadd.s32 s2, s17  }
0x8e: {  	[smem:$0x3FC6] =	sst s2  }
0x8f: {  	_ = 	snop  }
0x90: {  	s2 =	sld [smem:$0x3FC9]  }
0x91: {  	s18 =	sld [smem:$0x3FD0];
	(tm) =	ssettm $0x1  }
0x92: {  	s4 =	sld [smem:$0x3FFB];
	_ =	sdelay $0x3  }
0x93: {  	_ =	strace s4  }
0x94: {  	s4 =	sld [smem:$0x3FFC];
	_ =	sdelay $0x3  }
0x95: {  	_ =	strace s4  }
0x96: {  	s4 =	sld [smem:$0x3FFD];
	_ =	sdelay $0x3  }
0x97: {  	_ =	strace s4  }
0x98: {  	_ =	strace $0x8FFFFFFF  }
0x99: {  	s19 =	sld [smem:$0x3FDB];
	_ =	sdelay $0x1  }
0x9a: {  	s5 =	simm.s32 $_scs_section_size  }
0x9b: {  	s6 =	simm.s32 $_size__tile_overlayer_lowered;
	s7 =	simm.s32 $_tile_overlayer_lowered  }
0x9c: {  	s22 =	simm.s32 $0x1BFF;
	s21 =	sshll.u32 s7, $0x1;
	s4 =	sadd.s32 s5, s19  }
0x9d: {  	s8 =	simm.s32 $0x0;
	s20 =	sshll.u32 s6, $0x1;
	s6 =	sadd.s32 s21, s4  }
0x9e: {  	[timem:s8], [sflag:s22] =	dma.local [hbm:s6], s20  }
0x9f: {  	_ =	swait.ge [sflag:s22], s20  }
0xa0: {  	s5 =	ssub.s32 $0x0, s20;
	[sflag:s22] =	ssyncset.done $0x0  }
0xa1: {  	[sflag:s22] =	ssyncadd.s32 s5;
	_ =	sdelay $0x1  }
0xa2: {  	s23 =	simm.s32 $0x1B8B  }
0xa3: {  	_ =	swait.ge [sflag:s23], $0x1  }
0xa4: {  	[sflag:s23] =	ssyncset.done $0x0  }
0xa5: {  	s25 =	simm.s32 $0x1B8E;
	s24 =	sld [smem:$0x3FFE];
	[sflag:s23] =	ssyncadd.s32 $0xFFFFFFFF  }
0xa6: {  	s26 =	simm.s32 $execute0_lowered;
	[smem:$0x3FD2] =	sst s25  }
0xa7: {  	s6 =	sshll.u32 s26, $0x1;
	_ =	strace $0x80000046;
	[dreg:$0x1] =	wrdreg $0xFFFFFFFF  }
0xa8: {  	s28 =	simm.s32 $_size_execute0_lowered;
	s4 =	sadd.s32 s4, s6;
	[dreg:$0x0] =	wrdreg $0x0  }
0xa9: {  	s6 =	sshll.u32 s28, $0x1;
	[dreg:$0x2] =	wrdreg s4  }
0xaa: {  	[dreg:$0x3] =	wrdreg s6  }
0xab: {  	[dreg:$0x4] =	wrdreg $0xC0  }
0xac: {  	_ =	task [dreg:s8], $0x5FFFF  }
0xad: {  	[dreg:$0x1] =	wrdreg $0xFFFFFFFF  }
0xae: {  	[dreg:$0x0] =	wrdreg $0x60  }
0xaf: {  	[dreg:$0x2] =	wrdreg s2  }
0xb0: {  	[dreg:$0x3] =	wrdreg s24  }
0xb1: {  	[dreg:$0x4] =	wrdreg s18  }
0xb2: {  	[dreg:$0x5] =	wrdreg $0x9  }
0xb3: {  	_ =	task.clear_ibuf [dreg:s8], $0x6FFFF;
	_ =	strace $0x90000046  }
0xb4: {  	s29 =	simm.s32 $0x9;
	_ =	strace $0x80000048  }
0xb5: {  	_ =	swait.ge [sflag:s29], $0x1  }
0xb6: {  	[sflag:s29] =	ssyncadd.s32 $0xFFFFFFFF  }
0xb7: {  	_ =	strace $0x90000048  }
0xb8: {  	_ =	sfence  }
0xb9: {  	s30 =	sld [smem:$0x0];
	_ =	sdelay $0x2  }
0xba: {  	s31 =	sshll.u32 s1, $0xD;
	s1 =	sshrl.u32 s1, $0x2  }
0xbb: {  	s3 =	sand.u32 $0x4000, s31;
	s1 =	sadd.s32 s1, s30  }
0xbc: {  	s0 =	sor.u32 s3, s0;
	s1 =	sshll.u32 s1, $0x11  }
0xbd: {  	s0 =	sor.u32 s1, s0  }
0xbe: {  	s0 =	sadd.s32 $0x8F2B, s0  }
0xbf: {  	[sflag:s0] =	ssyncadd.remote.s32 $0x1  }
0xc0: {  	_ =	sfence.sel $0xFFFF  }
0xc1: {  	[dreg:$0x0] =	wrdreg $0xFFFFFFFF;
	(pc) =	sbr.abs _section_cstart, $3  }
0xc2: {  	[dreg:$0x1] =	wrdreg $0xFFFFFFFF  }
0xc3: {  	_ =	task.clear_ibuf [dreg:s8], $0x2FFFF;
	_ =	strace $0x9FFFFFFF  }
0xc4: {  	(tm) =	ssettm $0x7FFFFFFF  }
0xc5: {  	_ =	shalt  }
tec
execute0_lowered:
.L_overlay_start_1:
0x0: {  	(tag) =	ssettag $0x1  }
0x1: {  	s0 =	rddreg [dreg:$0x0]  }
0x2: {  	s2 =	rddreg [dreg:$0x1]  }
0x3: {  	s1 =	rddreg [dreg:$0x2];
	s3 =	simm.s32 $0x0;
	s4 =	srdreg.scid  }
0x4: {  	s5 =	stileid.u32;
	s11 =	simm.s32 $0x9;
	s13 =	simm.s32 $0x80  }
0x5: {  	s20 =	simm.s32 $0x1;
	s21 =	simm.s32 $0x11600;
	s22 =	simm.s32 $0x2  }
0x6: {  	s23 =	simm.s32 $0x13800;
	s24 =	simm.s32 $0x3;
	s25 =	simm.s32 $0x15A00  }
0x7: {  	s28 =	simm.s32 $0x17C00;
	s29 =	simm.s32 $0x5;
	s30 =	simm.s32 $0x6  }
0x8: {  	s31 =	simm.s32 $0x7;
	[smem:$0x7FF] =	sst s3;
	s4 =	sand.u32 $0x1, s4  }
0x9: {  	s5 =	sshll.u32 s5, $0xB;
	s6 =	ssub.s32 $0x2, s4;
	s4 =	sshll.u32 s4, $0xA  }
0xa: {  	v0 =	vlaneseq.u32;
	_ =	strace $0x80000047;
	s7 =	sshrl.u32 s6, $0x1;
	s4 =	sor.u32 s4, s5  }
0xb: {  	v0 =	vmul.u32 $0x88, v0;
	s5 =	sadd.s32 $0xC00, s2;
	s8 =	ssub.s32 s6, s7;
	s26 =	sshrl.u32 s4, $0x3  }
0xc: {  	s6 =	sadd.s32 $0x400, s2;
	s2 =	simm.s32 $0x0;
	s7 =	sadd.s32 s0, s26  }
0xd: {  	v1 =	vadd.s32 $0x880, v0;
	v2 =	vadd.s32 $0x1100, v0;
	v3 =	vadd.s32 $0x1980, v0;
	s8 =	smax.u32 s8, $0x1;
	s26 =	simm.s32 $0x4;
	s0 =	simm.s32 $0x8  }
.LBB2_1:
0xe: {  	s9 =	simm.s32 $0x400;
	s10 =	simm.s32 $0x8000  }
0xf: {  	[tilespmem:s3], [sflag:$0x9] =	stream.strided.gather [hbm4b:s7+s9], $0x6400, s10, s9, $0x38;
	[tilespmem:$0x19E00] =	vst v63  }
0x10: {  	_ =	swait.ge [sflag:s11], $0x6400  }
0x11: {  	[sflag:s11] =	ssyncset.done $0x0  }
0x12: {  	s12 =	simm.s32 $0x6400;
	[sflag:s11] =	ssyncadd.s32 $0xFFFF9C00  }
0x13: {  	[tilespmem:s12], [sflag:$0x9] =	stream.linear.gather [hbm4b:s6+s3], $0x3200, $0x38;
	[tilespmem:$0x19E00] =	vst v63  }
0x14: {  	_ =	swait.ge [sflag:s11], $0x3200  }
0x15: {  	[sflag:s11] =	ssyncset.done $0x0  }
0x16: {  	s14 =	simm.s32 $0x9600;
	[sflag:s11] =	ssyncadd.s32 $0xFFFFCE00  }
0x17: {  	[tilespmem:s14], [sflag:$0x1] =	stream.indirect.gather [hbm4b:s5+s13], $0x40, s3, s13, $0xb8;
	[tilespmem:$0x19E00] =	vst v63  }
0x18: {  	s15 =	simm.s32 $0xB600  }
0x19: {  	[tilespmem:s15], [sflag:$0x2] =	stream.indirect.gather [hbm4b:s5+s13], $0x40, s13, s13, $0xb8;
	[tilespmem:$0x19E00] =	vst v63  }
0x1a: {  	s16 =	simm.s32 $0x100;
	s17 =	simm.s32 $0xD600  }
0x1b: {  	[tilespmem:s17], [sflag:$0x3] =	stream.indirect.gather [hbm4b:s5+s13], $0x40, s16, s13, $0xb8;
	[tilespmem:$0x19E00] =	vst v63  }
0x1c: {  	s18 =	simm.s32 $0x180;
	s19 =	simm.s32 $0xF600;
	s9 =	simm.s32 $0x0  }
0x1d: {  	[tilespmem:s19], [sflag:$0x4] =	stream.indirect.gather [hbm4b:s5+s13], $0x40, s18, s13, $0xb8;
	[tilespmem:$0x19E00] =	vst v63  }
.LBB2_2:
0x1e: {  	_ =	swait.ge [sflag:s20], $0x2000  }
0x1f: {  	p1 =	seq.s32 s9, $0x0;
	[sflag:s20] =	ssyncset.done $0x0  }
0x20: {  	s10 =	simm.s32 @!p1 $0x5;
	[sflag:s20] =	ssyncadd.s32 $0xFFFFE000  }
0x21: {  	_ =	swait.ge @!p1 [sflag:s10], $0x2000  }
0x22: {  	[sflag:s10] =	ssyncset.done @!p1 $0x0  }
0x23: {  	s12 =	simm.s32 $0x9680;
	[sflag:s10] =	ssyncadd.s32 @!p1 $0xFFFFE000  }
0x24: {  	s16 =	sshll.u32 s9, $0x8;
	v4 =	vld [tilespmem:s12+$0x40]  }
0x25: {  	s14 =	simm.s32 $0x3;
	s10 =	sand.u32 $0x3FFFFF00, s16  }
0x26: {  	v5 =	vmov s14;
	v10 =	vld [tilespmem:s10+$0x6400]  }
0x27: {  	v15 =	vand.u32 $0x7F, v5  }
0x28: {  	v9 =	vadd.s32 v0, v15;
	v8 =	vld [tilespmem:s12+$0xFFFFFF80]  }
0x29: {  	s17 =	simm.s32 $0x0;
	v11 =	vld [tilespmem:s12+$0xFFFFFFC0];
	v4 =	vmul.f32 $8.000000000e+00, v4  }
0x2a: {  	s18 =	simm.s32 $0x1;
	v6 =	vmov s17;
	v12 =	vld [tilespmem:s12+$0x0]  }
0x2b: {  	s19 =	simm.s32 $0x2;
	v14 =	vand.u32 $0x7C, v6;
	v6 =	vmov s18;
	v7 =	vld [tilespmem:s10+$0x6410];
	v13 =	vadd.f32 v4, v10  }
0x2c: {  	v17 =	vmov s19;
	v16 =	vadd.s32 v0, v14;
	v30 =	vand.u32 $0x7D, v6;
	v5 =	vld [tilespmem:s10+$0x6420]  }
0x2d: {  	v6 =	vand.u32 $0x7E, v17;
	v17 =	vadd.s32 v0, v30;
	v8 =	vmul.f32 $8.000000000e+00, v8;
	v4 =	vld [tilespmem:s10+$0x6430];
	[tilespmem:v9+s21+$0x0] =	vst.idx.msk $0xffff, v13  }
0x2e: {  	v9 =	vmul.f32 $8.000000000e+00, v11;
	v11 =	vadd.s32 v0, v6;
	v13 =	vld [tilespmem:s12+$0x50]  }
0x2f: {  	v12 =	vmul.f32 $8.000000000e+00, v12;
	v8 =	vadd.f32 v8, v10  }
0x30: {  	v9 =	vadd.f32 v9, v10  }
0x31: {  	[tilespmem:v16+s21+$0x0] =	vst.idx.msk $0xffff, v8;
	v8 =	vadd.f32 v12, v10  }
0x32: {  	v12 =	vld [tilespmem:s12+$0xFFFFFF90];
	[tilespmem:v17+s21+$0x0] =	vst.idx.msk $0xffff, v9;
	v9 =	vadd.s32 v1, v15  }
0x33: {  	v16 =	vld [tilespmem:s12+$0xFFFFFFD0];
	[tilespmem:v11+s21+$0x0] =	vst.idx.msk $0xffff, v8;
	v8 =	vmul.f32 $8.000000000e+00, v13  }
0x34: {  	s10 =	simm.s32 $0x9780;
	v11 =	vld [tilespmem:s12+$0x10]  }
0x35: {  	v19 =	vld [tilespmem:s10+$0x40];
	v8 =	vadd.f32 v8, v7  }
0x36: {  	s15 =	simm.s32 $0x4;
	v26 =	vadd.s32 v2, v15;
	v13 =	vadd.s32 v1, v14  }
0x37: {  	v18 =	vadd.s32 v1, v30;
	v17 =	vmov s15;
	v12 =	vmul.f32 $8.000000000e+00, v12;
	[tilespmem:v9+s21+$0x0] =	vst.idx.msk $0xffff, v8  }
0x38: {  	s16 =	simm.s32 $0x7;
	v8 =	vand.u32 $0x7C, v17;
	v9 =	vmul.f32 $8.000000000e+00, v16;
	v16 =	vadd.s32 v1, v6;
	v17 =	vld [tilespmem:s12+$0x60]  }
0x39: {  	v21 =	vmov s16;
	v20 =	vld [tilespmem:s10+$0xFFFFFF80];
	v12 =	vadd.f32 v12, v7;
	v11 =	vmul.f32 $8.000000000e+00, v11  }
0x3a: {  	v24 =	vld [tilespmem:s10+$0xFFFFFFC0];
	v19 =	vmul.f32 $8.000000000e+00, v19;
	v23 =	vadd.f32 v9, v7;
	v9 =	vand.u32 $0x7F, v21  }
0x3b: {  	s17 =	simm.s32 $0x5;
	[tilespmem:v13+s21+$0x0] =	vst.idx.msk $0xffff, v12;
	v12 =	vld [tilespmem:s10+$0x0];
	v11 =	vadd.f32 v11, v7;
	v25 =	vadd.s32 v0, v9  }
0x3c: {  	s18 =	simm.s32 $0x6;
	v19 =	vadd.f32 v19, v10;
	v22 =	vadd.s32 v0, v8;
	v21 =	vmov s17;
	[tilespmem:v18+s21+$0x0] =	vst.idx.msk $0xffff, v23;
	v23 =	vld [tilespmem:s12+$0xFFFFFFA0]  }
0x3d: {  	v13 =	vand.u32 $0x7D, v21;
	v18 =	vmov s18;
	[tilespmem:v16+s21+$0x0] =	vst.idx.msk $0xffff, v11;
	v16 =	vld [tilespmem:s12+$0xFFFFFFE0];
	v17 =	vmul.f32 $8.000000000e+00, v17  }
0x3e: {  	v11 =	vand.u32 $0x7E, v18;
	v18 =	vmul.f32 $8.000000000e+00, v20;
	v20 =	vadd.s32 v0, v13;
	v21 =	vld [tilespmem:s12+$0x20]  }
0x3f: {  	v24 =	vmul.f32 $8.000000000e+00, v24;
	v27 =	vadd.s32 v0, v11;
	v17 =	vadd.f32 v17, v5  }
0x40: {  	v12 =	vmul.f32 $8.000000000e+00, v12;
	v18 =	vadd.f32 v18, v10;
	[tilespmem:v25+s21+$0x0] =	vst.idx.msk $0xffff, v19;
	v19 =	vadd.s32 v2, v14  }
0x41: {  	v24 =	vadd.f32 v24, v10;
	v25 =	vld [tilespmem:s10+$0x50];
	v23 =	vmul.f32 $8.000000000e+00, v23;
	[tilespmem:v26+s21+$0x0] =	vst.idx.msk $0xffff, v17;
	v17 =	vadd.s32 v2, v30  }
0x42: {  	[tilespmem:v22+s21+$0x0] =	vst.idx.msk $0xffff, v18;
	v18 =	vadd.f32 v12, v10;
	v16 =	vmul.f32 $8.000000000e+00, v16;
	v26 =	vadd.s32 v2, v6;
	v22 =	vld [tilespmem:s12+$0x70]  }
0x43: {  	s15 =	simm.s32 $0x8;
	v28 =	vld [tilespmem:s10+$0xFFFFFF90];
	[tilespmem:v20+s21+$0x0] =	vst.idx.msk $0xffff, v24;
	v21 =	vmul.f32 $8.000000000e+00, v21;
	v23 =	vadd.f32 v23, v5  }
0x44: {  	v31 =	vadd.s32 v1, v9;
	v12 =	vmov s15;
	v24 =	vld [tilespmem:s10+$0xFFFFFFD0];
	[tilespmem:v27+s21+$0x0] =	vst.idx.msk $0xffff, v18;
	v16 =	vadd.f32 v16, v5  }
0x45: {  	s19 =	simm.s32 $0x9;
	v14 =	vadd.s32 v3, v14;
	v12 =	vand.u32 $0x7C, v12;
	v27 =	vld [tilespmem:s10+$0x10];
	v29 =	vadd.f32 v21, v5;
	[tilespmem:v19+s21+$0x0] =	vst.idx.msk $0xffff, v23  }
0x46: {  	v20 =	vmov s19;
	v19 =	vadd.s32 v3, v15;
	v32 =	vmul.f32 $8.000000000e+00, v25;
	v21 =	vld [tilespmem:s12+$0xFFFFFFB0];
	[tilespmem:v17+s21+$0x0] =	vst.idx.msk $0xffff, v16  }
0x47: {  	v18 =	vadd.s32 v0, v12;
	v25 =	vadd.s32 v1, v8;
	[tilespmem:v26+s21+$0x0] =	vst.idx.msk $0xffff, v29;
	v15 =	vmul.f32 $8.000000000e+00, v22;
	v17 =	vld [tilespmem:s12+$0xFFFFFFF0]  }
0x48: {  	v23 =	vadd.s32 v1, v13;
	v28 =	vmul.f32 $8.000000000e+00, v28;
	v32 =	vadd.f32 v32, v7;
	v16 =	vld [tilespmem:s12+$0x30]  }
0x49: {  	s14 =	simm.s32 $0x9880;
	v26 =	vmul.f32 $8.000000000e+00, v24;
	v22 =	vadd.s32 v1, v11;
	v24 =	vadd.f32 v15, v4  }
0x4a: {  	s16 =	simm.s32 $0xC;
	v29 =	vld [tilespmem:s14+$0x40];
	s12 =	sshll.u32 s9, $0x2;
	v28 =	vadd.f32 v28, v7;
	v27 =	vmul.f32 $8.000000000e+00, v27;
	[tilespmem:v31+s21+$0x0] =	vst.idx.msk $0xffff, v32;
	v15 =	vadd.s32 v3, v30  }
.LBB2_3:
0x4b: {  	p0 =	slt.u32 s16, $0x7C;
	s17 =	sadd.s32 $0x3, s15;
	v26 =	vadd.f32 v26, v7;
	v30 =	vld [tilespmem:s10+$0x60];
	v21 =	vmul.f32 $8.000000000e+00, v21;
	v31 =	vadd.s32 v3, v6;
	[tilespmem:v19+s21+$0x0] =	vst.idx.msk $0xffff, v24  }
0x4c: {  	v32 =	vmovc v13;
	v6 =	vmovc v11;
	v19 =	vld [tilespmem:s14+$0xFFFFFF80];
	v24 =	vmov s17;
	[tilespmem:v25+s21+$0x0] =	vst.idx.msk $0xffff, v28;
	v25 =	vadd.f32 v27, v7;
	v17 =	vmul.f32 $8.000000000e+00, v17  }
0x4d: {  	s17 =	sadd.s32 $0x2, s15;
	s15 =	smov.u32 s16;
	v27 =	vld [tilespmem:s14+$0xFFFFFFC0];
	v24 =	vand.u32 $0x7F, v24;
	[tilespmem:v23+s21+$0x0] =	vst.idx.msk $0xffff, v26;
	v11 =	vadd.f32 v21, v4;
	v13 =	vmul.f32 $8.000000000e+00, v16  }
0x4e: {  	v16 =	vmov s17;
	v21 =	vld [tilespmem:s14+$0x0];
	v23 =	vadd.s32 v0, v24;
	[tilespmem:v22+s21+$0x0] =	vst.idx.msk $0xffff, v25;
	v17 =	vadd.f32 v17, v4  }
0x4f: {  	v26 =	vadd.s32 v2, v9;
	v22 =	vmul.f32 $8.000000000e+00, v29;
	v25 =	vld [tilespmem:s10+$0xFFFFFFA0];
	[tilespmem:v14+s21+$0x0] =	vst.idx.msk $0xffff, v11;
	v14 =	vadd.f32 v13, v4  }
0x50: {  	v13 =	vand.u32 $0x7D, v20;
	v11 =	vand.u32 $0x7E, v16;
	v16 =	vld [tilespmem:s10+$0xFFFFFFE0];
	v20 =	vmul.f32 $8.000000000e+00, v30;
	[tilespmem:v15+s21+$0x0] =	vst.idx.msk $0xffff, v17  }
0x51: {  	v17 =	vadd.s32 v0, v13;
	v15 =	vmul.f32 $8.000000000e+00, v19;
	v19 =	vadd.f32 v22, v10;
	v22 =	vld [tilespmem:s10+$0x20];
	[tilespmem:v31+s21+$0x0] =	vst.idx.msk $0xffff, v14  }
0x52: {  	v14 =	vmul.f32 $8.000000000e+00, v27;
	v27 =	vadd.s32 v0, v11;
	v20 =	vadd.f32 v20, v5  }
0x53: {  	v15 =	vadd.f32 v15, v10;
	v21 =	vmul.f32 $8.000000000e+00, v21;
	[tilespmem:v23+s21+$0x0] =	vst.idx.msk $0xffff, v19;
	v19 =	vadd.s32 v2, v8  }
0x54: {  	v28 =	vadd.s32 v2, v32;
	v14 =	vadd.f32 v14, v10;
	v23 =	vld [tilespmem:s14+$0x50];
	v25 =	vmul.f32 $8.000000000e+00, v25;
	[tilespmem:v26+s21+$0x0] =	vst.idx.msk $0xffff, v20  }
0x55: {  	v26 =	vadd.s32 v2, v6;
	[tilespmem:v18+s21+$0x0] =	vst.idx.msk $0xffff, v15;
	v15 =	vadd.f32 v21, v10;
	v16 =	vmul.f32 $8.000000000e+00, v16;
	v29 =	vld [tilespmem:s10+$0x70]  }
0x56: {  	v18 =	vmov s16;
	v30 =	vld [tilespmem:s14+$0xFFFFFF90];
	[tilespmem:v17+s21+$0x0] =	vst.idx.msk $0xffff, v14;
	v14 =	vadd.f32 v25, v5;
	v17 =	vmul.f32 $8.000000000e+00, v22  }
0x57: {  	s17 =	sadd.s32 $0x1, s16;
	v31 =	vand.u32 $0x7C, v18;
	v22 =	vld [tilespmem:s14+$0xFFFFFFD0];
	[tilespmem:v27+s21+$0x0] =	vst.idx.msk $0xffff, v15;
	v15 =	vadd.f32 v16, v5  }
0x58: {  	v33 =	vadd.s32 v1, v24;
	v20 =	vmov s17;
	v27 =	vld [tilespmem:s14+$0x10];
	[tilespmem:v19+s21+$0x0] =	vst.idx.msk $0xffff, v14;
	v16 =	vadd.f32 v17, v5  }
.Ltmp0:
0x59: {  	v14 =	vadd.s32 v3, v8;
	v19 =	vadd.s32 v3, v9;
	v34 =	vmul.f32 $8.000000000e+00, v23;
	v21 =	vld [tilespmem:s10+$0xFFFFFFB0];
	[tilespmem:v28+s21+$0x0] =	vst.idx.msk $0xffff, v15;
	(pc) =	sbr.rel @p0 .LBB2_3-.Ltmp0, $4  }
0x5a: {  	v25 =	vadd.s32 v1, v12;
	v18 =	vadd.s32 v0, v31;
	v17 =	vld [tilespmem:s10+$0xFFFFFFF0];
	[tilespmem:v26+s21+$0x0] =	vst.idx.msk $0xffff, v16;
	v15 =	vmul.f32 $8.000000000e+00, v29  }
0x5b: {  	v9 =	vmovc v24;
	v8 =	vmovc v12;
	v23 =	vadd.s32 v1, v13;
	v28 =	vmul.f32 $8.000000000e+00, v30;
	v30 =	vadd.f32 v34, v7;
	v16 =	vld [tilespmem:s10+$0x30];
	s10 =	smov.u32 s14  }
0x5c: {  	v12 =	vmovc v31;
	s14 =	sadd.s32 $0x100, s14;
	v26 =	vmul.f32 $8.000000000e+00, v22;
	v22 =	vadd.s32 v1, v11;
	v24 =	vadd.f32 v15, v4  }
0x5d: {  	s16 =	sadd.s32 $0x4, s16;
	v15 =	vadd.s32 v3, v32;
	v29 =	vld [tilespmem:s14+$0x40];
	v28 =	vadd.f32 v28, v7;
	v27 =	vmul.f32 $8.000000000e+00, v27;
	[tilespmem:v33+s21+$0x0] =	vst.idx.msk $0xffff, v30  }
0x5e: {  	s16 =	sadd.s32 $0x3, s15;
	v30 =	vld [tilespmem:s14+$0xFFFFFF80]  }
0x5f: {  	v32 =	vld [tilespmem:s14+$0xFFFFFFC0];
	v31 =	vmov s16  }
0x60: {  	v33 =	vld [tilespmem:s14+$0x0];
	v31 =	vand.u32 $0x7F, v31  }
0x61: {  	s17 =	sadd.s32 $0x2, s15;
	v34 =	vadd.s32 v0, v31  }
0x62: {  	v20 =	vand.u32 $0x7D, v20;
	v35 =	vmov s17;
	v29 =	vmul.f32 $8.000000000e+00, v29  }
0x63: {  	v36 =	vadd.s32 v0, v20;
	v35 =	vand.u32 $0x7E, v35;
	v30 =	vmul.f32 $8.000000000e+00, v30  }
0x64: {  	v37 =	vadd.s32 v0, v35;
	v32 =	vmul.f32 $8.000000000e+00, v32;
	v29 =	vadd.f32 v29, v10  }
0x65: {  	v33 =	vmul.f32 $8.000000000e+00, v33;
	v30 =	vadd.f32 v30, v10  }
0x66: {  	v58 =	vadd.f32 v32, v10;
	[tilespmem:v34+s21+$0x0] =	vst.idx.msk $0xffff, v29  }
0x67: {  	v60 =	vadd.f32 v33, v10;
	[tilespmem:v18+s21+$0x0] =	vst.idx.msk $0xffff, v30;
	v59 =	vld [tilespmem:s14+$0x50]  }
0x68: {  	[tilespmem:v36+s21+$0x0] =	vst.idx.msk $0xffff, v58;
	v30 =	vld [tilespmem:s14+$0xFFFFFF90]  }
0x69: {  	[tilespmem:v37+s21+$0x0] =	vst.idx.msk $0xffff, v60;
	v29 =	vld [tilespmem:s14+$0xFFFFFFD0]  }
0x6a: {  	v10 =	vld [tilespmem:s14+$0x10]  }
0x6b: {  	v61 =	vadd.s32 v1, v31  }
0x6c: {  	v26 =	vadd.f32 v26, v7;
	v62 =	vadd.s32 v1, v12;
	v18 =	vmul.f32 $8.000000000e+00, v59  }
0x6d: {  	v63 =	vld [tilespmem:s10+$0x60];
	[tilespmem:v25+s21+$0x0] =	vst.idx.msk $0xffff, v28;
	v27 =	vadd.f32 v27, v7;
	v36 =	vadd.s32 v1, v20;
	v34 =	vmul.f32 $8.000000000e+00, v30  }
0x6e: {  	[tilespmem:v23+s21+$0x0] =	vst.idx.msk $0xffff, v26;
	v39 =	vadd.s32 v1, v35;
	v37 =	vld [tilespmem:s10+$0xFFFFFFA0];
	v38 =	vmul.f32 $8.000000000e+00, v29;
	v18 =	vadd.f32 v18, v7  }
0x6f: {  	[tilespmem:v22+s21+$0x0] =	vst.idx.msk $0xffff, v27;
	v40 =	vld [tilespmem:s10+$0xFFFFFFE0];
	v10 =	vmul.f32 $8.000000000e+00, v10;
	v41 =	vadd.f32 v34, v7  }
0x70: {  	v42 =	vld [tilespmem:s10+$0x20];
	v26 =	vadd.f32 v38, v7;
	[tilespmem:v61+s21+$0x0] =	vst.idx.msk $0xffff, v18  }
0x71: {  	v21 =	vmul.f32 $8.000000000e+00, v21;
	v43 =	vadd.s32 v2, v9;
	v44 =	vadd.f32 v10, v7;
	[tilespmem:v62+s21+$0x0] =	vst.idx.msk $0xffff, v41;
	v45 =	vld [tilespmem:s14+$0x60]  }
0x72: {  	v46 =	vadd.s32 v2, v8;
	v25 =	vmul.f32 $8.000000000e+00, v63;
	[tilespmem:v36+s21+$0x0] =	vst.idx.msk $0xffff, v26;
	v47 =	vld [tilespmem:s14+$0xFFFFFFA0]  }
0x73: {  	v48 =	vadd.s32 v2, v13;
	v21 =	vadd.f32 v21, v4;
	v23 =	vmul.f32 $8.000000000e+00, v37;
	[tilespmem:v39+s21+$0x0] =	vst.idx.msk $0xffff, v44;
	v49 =	vld [tilespmem:s14+$0xFFFFFFE0]  }
0x74: {  	[tilespmem:v19+s21+$0x0] =	vst.idx.msk $0xffff, v24;
	v51 =	vadd.s32 v2, v11;
	v50 =	vadd.f32 v25, v5;
	v22 =	vmul.f32 $8.000000000e+00, v40;
	v52 =	vld [tilespmem:s14+$0x20]  }
0x75: {  	v54 =	vadd.s32 v2, v31;
	[tilespmem:v14+s21+$0x0] =	vst.idx.msk $0xffff, v21;
	v53 =	vadd.f32 v23, v5;
	v18 =	vmul.f32 $8.000000000e+00, v42  }
0x76: {  	v56 =	vadd.s32 v2, v12;
	[tilespmem:v43+s21+$0x0] =	vst.idx.msk $0xffff, v50;
	v55 =	vadd.f32 v22, v5;
	v10 =	vmul.f32 $8.000000000e+00, v45  }
0x77: {  	v60 =	vadd.s32 v2, v20;
	v57 =	vld [tilespmem:s10+$0x70];
	[tilespmem:v46+s21+$0x0] =	vst.idx.msk $0xffff, v53;
	v58 =	vadd.f32 v18, v5;
	v59 =	vmul.f32 $8.000000000e+00, v47  }
0x78: {  	v32 =	vadd.s32 v2, v35;
	[tilespmem:v48+s21+$0x0] =	vst.idx.msk $0xffff, v55;
	v61 =	vld [tilespmem:s10+$0xFFFFFFB0];
	v63 =	vmul.f32 $8.000000000e+00, v49;
	v62 =	vadd.f32 v10, v5  }
0x79: {  	v33 =	vld [tilespmem:s10+$0xFFFFFFF0];
	[tilespmem:v51+s21+$0x0] =	vst.idx.msk $0xffff, v58;
	v36 =	vmul.f32 $8.000000000e+00, v52;
	v34 =	vadd.f32 v59, v5  }
0x7a: {  	v6 =	vadd.s32 v3, v6;
	v17 =	vmul.f32 $8.000000000e+00, v17;
	v24 =	vld [tilespmem:s10+$0x30];
	v37 =	vadd.f32 v63, v5;
	[tilespmem:v54+s21+$0x0] =	vst.idx.msk $0xffff, v62  }
0x7b: {  	v38 =	vmul.f32 $8.000000000e+00, v16;
	v39 =	vadd.s32 v3, v9;
	v5 =	vadd.f32 v36, v5;
	v40 =	vld [tilespmem:s14+$0x70];
	[tilespmem:v56+s21+$0x0] =	vst.idx.msk $0xffff, v34  }
0x7c: {  	v43 =	vmul.f32 $8.000000000e+00, v57;
	v42 =	vadd.s32 v3, v8;
	v41 =	vadd.f32 v17, v4;
	[tilespmem:v60+s21+$0x0] =	vst.idx.msk $0xffff, v37;
	v44 =	vld [tilespmem:s14+$0xFFFFFFB0]  }
0x7d: {  	v46 =	vadd.s32 v3, v13;
	v45 =	vadd.f32 v38, v4;
	v47 =	vmul.f32 $8.000000000e+00, v61;
	[tilespmem:v32+s21+$0x0] =	vst.idx.msk $0xffff, v5;
	v48 =	vld [tilespmem:s14+$0xFFFFFFF0]  }
0x7e: {  	v50 =	vmul.f32 $8.000000000e+00, v33;
	[tilespmem:v15+s21+$0x0] =	vst.idx.msk $0xffff, v41;
	v49 =	vadd.s32 v3, v11;
	v5 =	vadd.f32 v43, v4;
	v51 =	vld [tilespmem:s14+$0x30]  }
0x7f: {  	[tilespmem:v6+s21+$0x0] =	vst.idx.msk $0xffff, v45;
	v52 =	vadd.f32 v47, v4;
	v53 =	vmul.f32 $8.000000000e+00, v24;
	v54 =	vadd.s32 v3, v31  }
0x80: {  	v55 =	vadd.s32 v3, v12;
	[tilespmem:v39+s21+$0x0] =	vst.idx.msk $0xffff, v5;
	v5 =	vadd.f32 v50, v4;
	v56 =	vmul.f32 $8.000000000e+00, v40  }
0x81: {  	v58 =	vadd.s32 v3, v20;
	[tilespmem:v42+s21+$0x0] =	vst.idx.msk $0xffff, v52;
	v57 =	vadd.f32 v53, v4;
	v59 =	vmul.f32 $8.000000000e+00, v44  }
0x82: {  	v60 =	vadd.s32 v3, v35;
	[tilespmem:v46+s21+$0x0] =	vst.idx.msk $0xffff, v5;
	v61 =	vmul.f32 $8.000000000e+00, v48;
	v5 =	vadd.f32 v56, v4  }
0x83: {  	[tilespmem:v49+s21+$0x0] =	vst.idx.msk $0xffff, v57;
	v63 =	vmul.f32 $8.000000000e+00, v51;
	v62 =	vadd.f32 v59, v4  }
0x84: {  	p0 =	seq.s32 s9, $0x31;
	[tilespmem:v54+s21+$0x0] =	vst.idx.msk $0xffff, v5;
	v5 =	vadd.f32 v61, v4  }
0x85: {  	s10 =	sshll.u32 @!p0 s12, $0x7;
	v4 =	vadd.f32 v63, v4;
	[tilespmem:v55+s21+$0x0] =	vst.idx.msk $0xffff, v62  }
0x86: {  	s18 =	sshll.u32 s9, $0x14;
	s14 =	sadd.s32 @!p0 $0x200, s10;
	[tilespmem:v58+s21+$0x0] =	vst.idx.msk $0xffff, v5  }
0x87: {  	s15 =	simm.s32 @!p0 $0x80;
	s16 =	simm.s32 @!p0 $0x9600;
	s14 =	sand.u32 @!p0 $0xFE00, s14;
	[tilespmem:v60+s21+$0x0] =	vst.idx.msk $0xffff, v4  }
0x88: {  	[tilespmem:s16], [sflag:$0x1] =	stream.indirect.gather @!p0 [hbm4b:s5+s15], $0x40, s14, s15, $0xb8;
	[tilespmem:$0x19E00] =	vst v63  }
0x89: {  	s14 =	sor.u32 s4, s18  }
0x8a: {  	s14 =	sshrl.u32 s14, $0x3  }
0x8b: {  	s19 =	simm.s32 $0x11600;
	s15 =	sadd.s32 s1, s14  }
0x8c: {  	[hbm4b:s15+s3] =	stream.linear.scatter [tilespmem:s19], [sflag:$0x5], $0x80, $0x38;
	[tilespmem:$0x19E00] =	vst v63  }
0x8d: {  	s16 =	simm.s32 $0x11688;
	s17 =	sadd.s32 $0x10, s15  }
0x8e: {  	[hbm4b:s17+s3] =	stream.linear.scatter [tilespmem:s16], [sflag:$0x5], $0x80, $0x38;
	[tilespmem:$0x19E00] =	vst v63  }
0x8f: {  	s18 =	simm.s32 $0x11710;
	s19 =	sadd.s32 $0x20, s15  }
0x90: {  	[hbm4b:s19+s3] =	stream.linear.scatter [tilespmem:s18], [sflag:$0x5], $0x80, $0x38;
	[tilespmem:$0x19E00] =	vst v63  }
0x91: {  	s16 =	simm.s32 $0x11798;
	s17 =	sadd.s32 $0x30, s15  }
0x92: {  	[hbm4b:s17+s3] =	stream.linear.scatter [tilespmem:s16], [sflag:$0x5], $0x80, $0x38;
	[tilespmem:$0x19E00] =	vst v63  }
0x93: {  	s18 =	simm.s32 $0x11820;
	s19 =	sadd.s32 $0x40, s15  }
0x94: {  	[hbm4b:s19+s3] =	stream.linear.scatter [tilespmem:s18], [sflag:$0x5], $0x80, $0x38;
	[tilespmem:$0x19E00] =	vst v63  }
0x95: {  	s14 =	simm.s32 $0x440;
	s16 =	simm.s32 $0x118A8;
	s17 =	sadd.s32 $0x50, s15  }
0x96: {  	[hbm4b:s17+s3] =	stream.linear.scatter [tilespmem:s16], [sflag:$0x5], $0x80, $0x38;
	[tilespmem:$0x19E00] =	vst v63  }
0x97: {  	s18 =	simm.s32 $0x11930;
	s19 =	sadd.s32 $0x60, s15;
	s16 =	simm.s32 $0x2200  }
0x98: {  	[hbm4b:s19+s3] =	stream.linear.scatter [tilespmem:s18], [sflag:$0x5], $0x80, $0x38;
	[tilespmem:$0x19E00] =	vst v63  }
0x99: {  	s17 =	simm.s32 $0x119B8;
	s18 =	sadd.s32 $0x70, s15;
	s15 =	sadd.s32 $0x1000, s15  }
.LBB2_5:
0x9a: {  	[hbm4b:s18+s3] =	stream.linear.scatter [tilespmem:s17], [sflag:$0x5], $0x80, $0x38;
	[tilespmem:$0x19E00] =	vst v63  }
0x9b: {  	s17 =	smov.u32 s14;
	s14 =	smov.u32 s16  }
0x9c: {  	s19 =	sadd.s32 $0x1100, s16;
	s14 =	sshra.s32 s14, $0x2;
	s18 =	sadd.s32 $0x11600, s17  }
0x9d: {  	[hbm4b:s15+s3] =	stream.linear.scatter [tilespmem:s18], [sflag:$0x5], $0x80, $0x38;
	[tilespmem:$0x19E00] =	vst v63  }
0x9e: {  	p2 =	sne.s32 s16, $0x7700;
	s16 =	sadd.s32 $0x11688, s17;
	s18 =	sadd.s32 $0x10, s15  }
0x9f: {  	[hbm4b:s18+s3] =	stream.linear.scatter [tilespmem:s16], [sflag:$0x5], $0x80, $0x38;
	[tilespmem:$0x19E00] =	vst v63  }
0xa0: {  	s16 =	sadd.s32 $0x11710, s17;
	s18 =	sadd.s32 $0x20, s15  }
0xa1: {  	[hbm4b:s18+s3] =	stream.linear.scatter [tilespmem:s16], [sflag:$0x5], $0x80, $0x38;
	[tilespmem:$0x19E00] =	vst v63  }
0xa2: {  	s16 =	sadd.s32 $0x11798, s17;
	s18 =	sadd.s32 $0x30, s15  }
0xa3: {  	[hbm4b:s18+s3] =	stream.linear.scatter [tilespmem:s16], [sflag:$0x5], $0x80, $0x38;
	[tilespmem:$0x19E00] =	vst v63  }
0xa4: {  	s16 =	sadd.s32 $0x11820, s17;
	s18 =	sadd.s32 $0x40, s15  }
0xa5: {  	[hbm4b:s18+s3] =	stream.linear.scatter [tilespmem:s16], [sflag:$0x5], $0x80, $0x38;
	[tilespmem:$0x19E00] =	vst v63  }
.Ltmp1:
0xa6: {  	s16 =	sadd.s32 $0x118A8, s17;
	s18 =	sadd.s32 $0x50, s15;
	(pc) =	sbr.rel @p2 .LBB2_5-.Ltmp1, $4  }
0xa7: {  	[hbm4b:s18+s3] =	stream.linear.scatter [tilespmem:s16], [sflag:$0x5], $0x80, $0x38;
	[tilespmem:$0x19E00] =	vst v63  }
0xa8: {  	s16 =	sadd.s32 $0x11930, s17;
	s18 =	sadd.s32 $0x60, s15;
	s17 =	sadd.s32 $0x119B8, s17  }
0xa9: {  	[hbm4b:s18+s3] =	stream.linear.scatter [tilespmem:s16], [sflag:$0x5], $0x80, $0x38;
	[tilespmem:$0x19E00] =	vst v63  }
0xaa: {  	s18 =	sadd.s32 $0x70, s15;
	s15 =	sadd.s32 $0x1000, s15;
	s16 =	smov.u32 s19  }
0xab: {  	[hbm4b:s18+s3] =	stream.linear.scatter [tilespmem:s17], [sflag:$0x5], $0x80, $0x38;
	[tilespmem:$0x19E00] =	vst v63  }
0xac: {  	s16 =	sadd.s32 $0x11600, s14  }
0xad: {  	[hbm4b:s15+s3] =	stream.linear.scatter [tilespmem:s16], [sflag:$0x5], $0x80, $0x38;
	[tilespmem:$0x19E00] =	vst v63  }
0xae: {  	s18 =	sadd.s32 $0x11688, s14;
	s19 =	sadd.s32 $0x10, s15  }
0xaf: {  	[hbm4b:s19+s3] =	stream.linear.scatter [tilespmem:s18], [sflag:$0x5], $0x80, $0x38;
	[tilespmem:$0x19E00] =	vst v63  }
0xb0: {  	s18 =	sadd.s32 $0x11710, s14;
	s19 =	sadd.s32 $0x20, s15  }
0xb1: {  	[hbm4b:s19+s3] =	stream.linear.scatter [tilespmem:s18], [sflag:$0x5], $0x80, $0x38;
	[tilespmem:$0x19E00] =	vst v63  }
0xb2: {  	s18 =	sadd.s32 $0x11798, s14;
	s19 =	sadd.s32 $0x30, s15  }
0xb3: {  	[hbm4b:s19+s3] =	stream.linear.scatter [tilespmem:s18], [sflag:$0x5], $0x80, $0x38;
	[tilespmem:$0x19E00] =	vst v63  }
0xb4: {  	s18 =	sadd.s32 $0x11820, s14;
	s19 =	sadd.s32 $0x40, s15  }
0xb5: {  	[hbm4b:s19+s3] =	stream.linear.scatter [tilespmem:s18], [sflag:$0x5], $0x80, $0x38;
	[tilespmem:$0x19E00] =	vst v63  }
0xb6: {  	s18 =	sadd.s32 $0x118A8, s14;
	s19 =	sadd.s32 $0x50, s15  }
0xb7: {  	[hbm4b:s19+s3] =	stream.linear.scatter [tilespmem:s18], [sflag:$0x5], $0x80, $0x38;
	[tilespmem:$0x19E00] =	vst v63  }
0xb8: {  	s18 =	sadd.s32 $0x11930, s14;
	s19 =	sadd.s32 $0x60, s15  }
0xb9: {  	[hbm4b:s19+s3] =	stream.linear.scatter [tilespmem:s18], [sflag:$0x5], $0x80, $0x38;
	[tilespmem:$0x19E00] =	vst v63  }
0xba: {  	s17 =	sadd.s32 $0x70, s15;
	s16 =	sadd.s32 $0x119B8, s14  }
0xbb: {  	[hbm4b:s17+s3] =	stream.linear.scatter [tilespmem:s16], [sflag:$0x5], $0x80, $0x38;
	[tilespmem:$0x19E00] =	vst v63  }
0xbc: {  	_ =	swait.ge [sflag:s22], $0x2000  }
0xbd: {  	[sflag:s22] =	ssyncset.done $0x0  }
0xbe: {  	s15 =	simm.s32 @!p1 $0x6;
	[sflag:s22] =	ssyncadd.s32 $0xFFFFE000  }
0xbf: {  	_ =	swait.ge @!p1 [sflag:s15], $0x2000  }
0xc0: {  	[sflag:s15] =	ssyncset.done @!p1 $0x0  }
0xc1: {  	s14 =	sor.u32 $0x1, s12;
	s16 =	simm.s32 $0xB680;
	[sflag:s15] =	ssyncadd.s32 @!p1 $0xFFFFE000  }
0xc2: {  	s18 =	sshll.u32 s14, $0x6;
	v4 =	vld [tilespmem:s16+$0x40]  }
0xc3: {  	s19 =	simm.s32 $0x3;
	s15 =	sand.u32 $0x3FFFFFC0, s18  }
0xc4: {  	v5 =	vmov s19;
	v10 =	vld [tilespmem:s15+$0x6400]  }
0xc5: {  	v15 =	vand.u32 $0x7F, v5  }
0xc6: {  	v9 =	vadd.s32 v0, v15;
	v8 =	vld [tilespmem:s16+$0xFFFFFF80]  }
0xc7: {  	s18 =	simm.s32 $0x0;
	v11 =	vld [tilespmem:s16+$0xFFFFFFC0];
	v4 =	vmul.f32 $8.000000000e+00, v4  }
0xc8: {  	s19 =	simm.s32 $0x1;
	v6 =	vmov s18;
	v12 =	vld [tilespmem:s16+$0x0]  }
0xc9: {  	v7 =	vld [tilespmem:s15+$0x6410];
	s18 =	simm.s32 $0x2;
	v14 =	vand.u32 $0x7C, v6;
	v6 =	vmov s19;
	v13 =	vadd.f32 v4, v10  }
0xca: {  	v5 =	vld [tilespmem:s15+$0x6420];
	v17 =	vmov s18;
	v16 =	vadd.s32 v0, v14;
	v30 =	vand.u32 $0x7D, v6  }
0xcb: {  	v6 =	vand.u32 $0x7E, v17;
	v17 =	vadd.s32 v0, v30;
	v8 =	vmul.f32 $8.000000000e+00, v8;
	v4 =	vld [tilespmem:s15+$0x6430];
	[tilespmem:v9+s23+$0x0] =	vst.idx.msk $0xffff, v13  }
0xcc: {  	v9 =	vmul.f32 $8.000000000e+00, v11;
	v11 =	vadd.s32 v0, v6;
	v13 =	vld [tilespmem:s16+$0x50]  }
0xcd: {  	v12 =	vmul.f32 $8.000000000e+00, v12;
	v8 =	vadd.f32 v8, v10  }
0xce: {  	v9 =	vadd.f32 v9, v10  }
0xcf: {  	[tilespmem:v16+s23+$0x0] =	vst.idx.msk $0xffff, v8;
	v8 =	vadd.f32 v12, v10  }
0xd0: {  	v12 =	vld [tilespmem:s16+$0xFFFFFF90];
	[tilespmem:v17+s23+$0x0] =	vst.idx.msk $0xffff, v9;
	v9 =	vadd.s32 v1, v15  }
0xd1: {  	v16 =	vld [tilespmem:s16+$0xFFFFFFD0];
	[tilespmem:v11+s23+$0x0] =	vst.idx.msk $0xffff, v8;
	v8 =	vmul.f32 $8.000000000e+00, v13  }
0xd2: {  	s15 =	simm.s32 $0xB780;
	v11 =	vld [tilespmem:s16+$0x10]  }
0xd3: {  	v19 =	vld [tilespmem:s15+$0x40];
	v8 =	vadd.f32 v8, v7  }
0xd4: {  	v26 =	vadd.s32 v2, v15;
	s19 =	simm.s32 $0x4;
	v13 =	vadd.s32 v1, v14  }
0xd5: {  	v18 =	vadd.s32 v1, v30;
	v17 =	vmov s19;
	v12 =	vmul.f32 $8.000000000e+00, v12;
	[tilespmem:v9+s23+$0x0] =	vst.idx.msk $0xffff, v8  }
0xd6: {  	s18 =	simm.s32 $0x7;
	v8 =	vand.u32 $0x7C, v17;
	v9 =	vmul.f32 $8.000000000e+00, v16;
	v16 =	vadd.s32 v1, v6;
	v17 =	vld [tilespmem:s16+$0x60]  }
0xd7: {  	v21 =	vmov s18;
	v20 =	vld [tilespmem:s15+$0xFFFFFF80];
	v12 =	vadd.f32 v12, v7;
	v11 =	vmul.f32 $8.000000000e+00, v11  }
0xd8: {  	v24 =	vld [tilespmem:s15+$0xFFFFFFC0];
	v19 =	vmul.f32 $8.000000000e+00, v19;
	v23 =	vadd.f32 v9, v7;
	v9 =	vand.u32 $0x7F, v21  }
0xd9: {  	s19 =	simm.s32 $0x5;
	[tilespmem:v13+s23+$0x0] =	vst.idx.msk $0xffff, v12;
	v12 =	vld [tilespmem:s15+$0x0];
	v11 =	vadd.f32 v11, v7;
	v25 =	vadd.s32 v0, v9  }
0xda: {  	s18 =	simm.s32 $0x6;
	v19 =	vadd.f32 v19, v10;
	v22 =	vadd.s32 v0, v8;
	v21 =	vmov s19;
	[tilespmem:v18+s23+$0x0] =	vst.idx.msk $0xffff, v23;
	v23 =	vld [tilespmem:s16+$0xFFFFFFA0]  }
0xdb: {  	v13 =	vand.u32 $0x7D, v21;
	v18 =	vmov s18;
	[tilespmem:v16+s23+$0x0] =	vst.idx.msk $0xffff, v11;
	v16 =	vld [tilespmem:s16+$0xFFFFFFE0];
	v17 =	vmul.f32 $8.000000000e+00, v17  }
0xdc: {  	v11 =	vand.u32 $0x7E, v18;
	v18 =	vmul.f32 $8.000000000e+00, v20;
	v20 =	vadd.s32 v0, v13;
	v21 =	vld [tilespmem:s16+$0x20]  }
0xdd: {  	v24 =	vmul.f32 $8.000000000e+00, v24;
	v27 =	vadd.s32 v0, v11;
	v17 =	vadd.f32 v17, v5  }
0xde: {  	v12 =	vmul.f32 $8.000000000e+00, v12;
	v18 =	vadd.f32 v18, v10;
	[tilespmem:v25+s23+$0x0] =	vst.idx.msk $0xffff, v19;
	v19 =	vadd.s32 v2, v14  }
0xdf: {  	v24 =	vadd.f32 v24, v10;
	v25 =	vld [tilespmem:s15+$0x50];
	v23 =	vmul.f32 $8.000000000e+00, v23;
	[tilespmem:v26+s23+$0x0] =	vst.idx.msk $0xffff, v17;
	v17 =	vadd.s32 v2, v30  }
0xe0: {  	[tilespmem:v22+s23+$0x0] =	vst.idx.msk $0xffff, v18;
	v18 =	vadd.f32 v12, v10;
	v16 =	vmul.f32 $8.000000000e+00, v16;
	v26 =	vadd.s32 v2, v6;
	v22 =	vld [tilespmem:s16+$0x70]  }
0xe1: {  	s17 =	simm.s32 $0x8;
	v28 =	vld [tilespmem:s15+$0xFFFFFF90];
	[tilespmem:v20+s23+$0x0] =	vst.idx.msk $0xffff, v24;
	v21 =	vmul.f32 $8.000000000e+00, v21;
	v23 =	vadd.f32 v23, v5  }
0xe2: {  	v31 =	vadd.s32 v1, v9;
	v12 =	vmov s17;
	v24 =	vld [tilespmem:s15+$0xFFFFFFD0];
	[tilespmem:v27+s23+$0x0] =	vst.idx.msk $0xffff, v18;
	v16 =	vadd.f32 v16, v5  }
0xe3: {  	s19 =	simm.s32 $0x9;
	v14 =	vadd.s32 v3, v14;
	v12 =	vand.u32 $0x7C, v12;
	v27 =	vld [tilespmem:s15+$0x10];
	v29 =	vadd.f32 v21, v5;
	[tilespmem:v19+s23+$0x0] =	vst.idx.msk $0xffff, v23  }
0xe4: {  	v20 =	vmov s19;
	v19 =	vadd.s32 v3, v15;
	v32 =	vmul.f32 $8.000000000e+00, v25;
	v21 =	vld [tilespmem:s16+$0xFFFFFFB0];
	[tilespmem:v17+s23+$0x0] =	vst.idx.msk $0xffff, v16  }
0xe5: {  	v18 =	vadd.s32 v0, v12;
	v25 =	vadd.s32 v1, v8;
	[tilespmem:v26+s23+$0x0] =	vst.idx.msk $0xffff, v29;
	v15 =	vmul.f32 $8.000000000e+00, v22;
	v17 =	vld [tilespmem:s16+$0xFFFFFFF0]  }
0xe6: {  	v23 =	vadd.s32 v1, v13;
	v28 =	vmul.f32 $8.000000000e+00, v28;
	v32 =	vadd.f32 v32, v7;
	v16 =	vld [tilespmem:s16+$0x30]  }
0xe7: {  	v26 =	vmul.f32 $8.000000000e+00, v24;
	v22 =	vadd.s32 v1, v11;
	s16 =	simm.s32 $0xB880;
	v24 =	vadd.f32 v15, v4  }
0xe8: {  	s18 =	simm.s32 $0xC;
	v29 =	vld [tilespmem:s16+$0x40];
	v28 =	vadd.f32 v28, v7;
	v27 =	vmul.f32 $8.000000000e+00, v27;
	[tilespmem:v31+s23+$0x0] =	vst.idx.msk $0xffff, v32;
	v15 =	vadd.s32 v3, v30  }
.LBB2_7:
0xe9: {  	p2 =	slt.u32 s18, $0x7C;
	s19 =	sadd.s32 $0x3, s17;
	v26 =	vadd.f32 v26, v7;
	v30 =	vld [tilespmem:s15+$0x60];
	v21 =	vmul.f32 $8.000000000e+00, v21;
	v31 =	vadd.s32 v3, v6;
	[tilespmem:v19+s23+$0x0] =	vst.idx.msk $0xffff, v24  }
0xea: {  	v32 =	vmovc v13;
	v6 =	vmovc v11;
	v19 =	vld [tilespmem:s16+$0xFFFFFF80];
	v24 =	vmov s19;
	[tilespmem:v25+s23+$0x0] =	vst.idx.msk $0xffff, v28;
	v25 =	vadd.f32 v27, v7;
	v17 =	vmul.f32 $8.000000000e+00, v17  }
0xeb: {  	s19 =	sadd.s32 $0x2, s17;
	s17 =	smov.u32 s18;
	v27 =	vld [tilespmem:s16+$0xFFFFFFC0];
	v24 =	vand.u32 $0x7F, v24;
	[tilespmem:v23+s23+$0x0] =	vst.idx.msk $0xffff, v26;
	v11 =	vadd.f32 v21, v4;
	v13 =	vmul.f32 $8.000000000e+00, v16  }
0xec: {  	v16 =	vmov s19;
	v21 =	vld [tilespmem:s16+$0x0];
	v23 =	vadd.s32 v0, v24;
	[tilespmem:v22+s23+$0x0] =	vst.idx.msk $0xffff, v25;
	v17 =	vadd.f32 v17, v4  }
0xed: {  	v26 =	vadd.s32 v2, v9;
	v22 =	vmul.f32 $8.000000000e+00, v29;
	v25 =	vld [tilespmem:s15+$0xFFFFFFA0];
	[tilespmem:v14+s23+$0x0] =	vst.idx.msk $0xffff, v11;
	v14 =	vadd.f32 v13, v4  }
0xee: {  	v13 =	vand.u32 $0x7D, v20;
	v11 =	vand.u32 $0x7E, v16;
	v16 =	vld [tilespmem:s15+$0xFFFFFFE0];
	v20 =	vmul.f32 $8.000000000e+00, v30;
	[tilespmem:v15+s23+$0x0] =	vst.idx.msk $0xffff, v17  }
0xef: {  	v17 =	vadd.s32 v0, v13;
	v15 =	vmul.f32 $8.000000000e+00, v19;
	v19 =	vadd.f32 v22, v10;
	v22 =	vld [tilespmem:s15+$0x20];
	[tilespmem:v31+s23+$0x0] =	vst.idx.msk $0xffff, v14  }
0xf0: {  	v14 =	vmul.f32 $8.000000000e+00, v27;
	v27 =	vadd.s32 v0, v11;
	v20 =	vadd.f32 v20, v5  }
0xf1: {  	v15 =	vadd.f32 v15, v10;
	v21 =	vmul.f32 $8.000000000e+00, v21;
	[tilespmem:v23+s23+$0x0] =	vst.idx.msk $0xffff, v19;
	v19 =	vadd.s32 v2, v8  }
0xf2: {  	v28 =	vadd.s32 v2, v32;
	v14 =	vadd.f32 v14, v10;
	v23 =	vld [tilespmem:s16+$0x50];
	v25 =	vmul.f32 $8.000000000e+00, v25;
	[tilespmem:v26+s23+$0x0] =	vst.idx.msk $0xffff, v20  }
0xf3: {  	v26 =	vadd.s32 v2, v6;
	[tilespmem:v18+s23+$0x0] =	vst.idx.msk $0xffff, v15;
	v15 =	vadd.f32 v21, v10;
	v16 =	vmul.f32 $8.000000000e+00, v16;
	v29 =	vld [tilespmem:s15+$0x70]  }
0xf4: {  	v18 =	vmov s18;
	v30 =	vld [tilespmem:s16+$0xFFFFFF90];
	[tilespmem:v17+s23+$0x0] =	vst.idx.msk $0xffff, v14;
	v14 =	vadd.f32 v25, v5;
	v17 =	vmul.f32 $8.000000000e+00, v22  }
0xf5: {  	s19 =	sadd.s32 $0x1, s18;
	v31 =	vand.u32 $0x7C, v18;
	v22 =	vld [tilespmem:s16+$0xFFFFFFD0];
	[tilespmem:v27+s23+$0x0] =	vst.idx.msk $0xffff, v15;
	v15 =	vadd.f32 v16, v5  }
0xf6: {  	v33 =	vadd.s32 v1, v24;
	v20 =	vmov s19;
	v27 =	vld [tilespmem:s16+$0x10];
	[tilespmem:v19+s23+$0x0] =	vst.idx.msk $0xffff, v14;
	v16 =	vadd.f32 v17, v5  }
.Ltmp2:
0xf7: {  	v14 =	vadd.s32 v3, v8;
	v19 =	vadd.s32 v3, v9;
	v34 =	vmul.f32 $8.000000000e+00, v23;
	v21 =	vld [tilespmem:s15+$0xFFFFFFB0];
	[tilespmem:v28+s23+$0x0] =	vst.idx.msk $0xffff, v15;
	(pc) =	sbr.rel @p2 .LBB2_7-.Ltmp2, $4  }
0xf8: {  	v25 =	vadd.s32 v1, v12;
	v18 =	vadd.s32 v0, v31;
	v17 =	vld [tilespmem:s15+$0xFFFFFFF0];
	[tilespmem:v26+s23+$0x0] =	vst.idx.msk $0xffff, v16;
	v15 =	vmul.f32 $8.000000000e+00, v29  }
0xf9: {  	v9 =	vmovc v24;
	v8 =	vmovc v12;
	v23 =	vadd.s32 v1, v13;
	v28 =	vmul.f32 $8.000000000e+00, v30;
	v30 =	vadd.f32 v34, v7;
	v16 =	vld [tilespmem:s15+$0x30];
	s15 =	smov.u32 s16  }
0xfa: {  	v12 =	vmovc v31;
	s16 =	sadd.s32 $0x100, s16;
	v26 =	vmul.f32 $8.000000000e+00, v22;
	v22 =	vadd.s32 v1, v11;
	v24 =	vadd.f32 v15, v4  }
0xfb: {  	s18 =	sadd.s32 $0x4, s18;
	v15 =	vadd.s32 v3, v32;
	v29 =	vld [tilespmem:s16+$0x40];
	v28 =	vadd.f32 v28, v7;
	v27 =	vmul.f32 $8.000000000e+00, v27;
	[tilespmem:v33+s23+$0x0] =	vst.idx.msk $0xffff, v30  }
0xfc: {  	s18 =	sadd.s32 $0x3, s17;
	v30 =	vld [tilespmem:s16+$0xFFFFFF80]  }
0xfd: {  	v32 =	vld [tilespmem:s16+$0xFFFFFFC0];
	v31 =	vmov s18  }
0xfe: {  	v33 =	vld [tilespmem:s16+$0x0];
	v31 =	vand.u32 $0x7F, v31  }
0xff: {  	s18 =	sadd.s32 $0x2, s17;
	v34 =	vadd.s32 v0, v31  }
0x100: {  	v20 =	vand.u32 $0x7D, v20;
	v35 =	vmov s18;
	v29 =	vmul.f32 $8.000000000e+00, v29  }
0x101: {  	v36 =	vadd.s32 v0, v20;
	v35 =	vand.u32 $0x7E, v35;
	v30 =	vmul.f32 $8.000000000e+00, v30  }
0x102: {  	v37 =	vadd.s32 v0, v35;
	v32 =	vmul.f32 $8.000000000e+00, v32;
	v29 =	vadd.f32 v29, v10  }
0x103: {  	v33 =	vmul.f32 $8.000000000e+00, v33;
	v30 =	vadd.f32 v30, v10  }
0x104: {  	v58 =	vadd.f32 v32, v10;
	[tilespmem:v34+s23+$0x0] =	vst.idx.msk $0xffff, v29  }
0x105: {  	v60 =	vadd.f32 v33, v10;
	[tilespmem:v18+s23+$0x0] =	vst.idx.msk $0xffff, v30;
	v59 =	vld [tilespmem:s16+$0x50]  }
0x106: {  	[tilespmem:v36+s23+$0x0] =	vst.idx.msk $0xffff, v58;
	v30 =	vld [tilespmem:s16+$0xFFFFFF90]  }
0x107: {  	[tilespmem:v37+s23+$0x0] =	vst.idx.msk $0xffff, v60;
	v29 =	vld [tilespmem:s16+$0xFFFFFFD0]  }
0x108: {  	v10 =	vld [tilespmem:s16+$0x10]  }
0x109: {  	v61 =	vadd.s32 v1, v31  }
0x10a: {  	v26 =	vadd.f32 v26, v7;
	v62 =	vadd.s32 v1, v12;
	v18 =	vmul.f32 $8.000000000e+00, v59  }
0x10b: {  	v63 =	vld [tilespmem:s15+$0x60];
	[tilespmem:v25+s23+$0x0] =	vst.idx.msk $0xffff, v28;
	v27 =	vadd.f32 v27, v7;
	v36 =	vadd.s32 v1, v20;
	v34 =	vmul.f32 $8.000000000e+00, v30  }
0x10c: {  	[tilespmem:v23+s23+$0x0] =	vst.idx.msk $0xffff, v26;
	v39 =	vadd.s32 v1, v35;
	v37 =	vld [tilespmem:s15+$0xFFFFFFA0];
	v38 =	vmul.f32 $8.000000000e+00, v29;
	v18 =	vadd.f32 v18, v7  }
0x10d: {  	[tilespmem:v22+s23+$0x0] =	vst.idx.msk $0xffff, v27;
	v40 =	vld [tilespmem:s15+$0xFFFFFFE0];
	v10 =	vmul.f32 $8.000000000e+00, v10;
	v41 =	vadd.f32 v34, v7  }
0x10e: {  	v42 =	vld [tilespmem:s15+$0x20];
	v26 =	vadd.f32 v38, v7;
	[tilespmem:v61+s23+$0x0] =	vst.idx.msk $0xffff, v18  }
0x10f: {  	v21 =	vmul.f32 $8.000000000e+00, v21;
	v43 =	vadd.s32 v2, v9;
	v44 =	vadd.f32 v10, v7;
	[tilespmem:v62+s23+$0x0] =	vst.idx.msk $0xffff, v41;
	v45 =	vld [tilespmem:s16+$0x60]  }
0x110: {  	v46 =	vadd.s32 v2, v8;
	v25 =	vmul.f32 $8.000000000e+00, v63;
	[tilespmem:v36+s23+$0x0] =	vst.idx.msk $0xffff, v26;
	v47 =	vld [tilespmem:s16+$0xFFFFFFA0]  }
0x111: {  	v48 =	vadd.s32 v2, v13;
	v21 =	vadd.f32 v21, v4;
	v23 =	vmul.f32 $8.000000000e+00, v37;
	[tilespmem:v39+s23+$0x0] =	vst.idx.msk $0xffff, v44;
	v49 =	vld [tilespmem:s16+$0xFFFFFFE0]  }
0x112: {  	[tilespmem:v19+s23+$0x0] =	vst.idx.msk $0xffff, v24;
	v51 =	vadd.s32 v2, v11;
	v50 =	vadd.f32 v25, v5;
	v22 =	vmul.f32 $8.000000000e+00, v40;
	v52 =	vld [tilespmem:s16+$0x20]  }
0x113: {  	v54 =	vadd.s32 v2, v31;
	[tilespmem:v14+s23+$0x0] =	vst.idx.msk $0xffff, v21;
	v53 =	vadd.f32 v23, v5;
	v18 =	vmul.f32 $8.000000000e+00, v42  }
0x114: {  	v56 =	vadd.s32 v2, v12;
	[tilespmem:v43+s23+$0x0] =	vst.idx.msk $0xffff, v50;
	v55 =	vadd.f32 v22, v5;
	v10 =	vmul.f32 $8.000000000e+00, v45  }
0x115: {  	v60 =	vadd.s32 v2, v20;
	v57 =	vld [tilespmem:s15+$0x70];
	[tilespmem:v46+s23+$0x0] =	vst.idx.msk $0xffff, v53;
	v58 =	vadd.f32 v18, v5;
	v59 =	vmul.f32 $8.000000000e+00, v47  }
0x116: {  	v32 =	vadd.s32 v2, v35;
	[tilespmem:v48+s23+$0x0] =	vst.idx.msk $0xffff, v55;
	v61 =	vld [tilespmem:s15+$0xFFFFFFB0];
	v63 =	vmul.f32 $8.000000000e+00, v49;
	v62 =	vadd.f32 v10, v5  }
0x117: {  	v33 =	vld [tilespmem:s15+$0xFFFFFFF0];
	[tilespmem:v51+s23+$0x0] =	vst.idx.msk $0xffff, v58;
	v36 =	vmul.f32 $8.000000000e+00, v52;
	v34 =	vadd.f32 v59, v5  }
0x118: {  	v6 =	vadd.s32 v3, v6;
	v17 =	vmul.f32 $8.000000000e+00, v17;
	v24 =	vld [tilespmem:s15+$0x30];
	v37 =	vadd.f32 v63, v5;
	[tilespmem:v54+s23+$0x0] =	vst.idx.msk $0xffff, v62  }
0x119: {  	v38 =	vmul.f32 $8.000000000e+00, v16;
	v39 =	vadd.s32 v3, v9;
	v5 =	vadd.f32 v36, v5;
	v40 =	vld [tilespmem:s16+$0x70];
	[tilespmem:v56+s23+$0x0] =	vst.idx.msk $0xffff, v34  }
0x11a: {  	v43 =	vmul.f32 $8.000000000e+00, v57;
	v42 =	vadd.s32 v3, v8;
	v41 =	vadd.f32 v17, v4;
	[tilespmem:v60+s23+$0x0] =	vst.idx.msk $0xffff, v37;
	v44 =	vld [tilespmem:s16+$0xFFFFFFB0]  }
0x11b: {  	v46 =	vadd.s32 v3, v13;
	v45 =	vadd.f32 v38, v4;
	v47 =	vmul.f32 $8.000000000e+00, v61;
	[tilespmem:v32+s23+$0x0] =	vst.idx.msk $0xffff, v5;
	v48 =	vld [tilespmem:s16+$0xFFFFFFF0]  }
0x11c: {  	v50 =	vmul.f32 $8.000000000e+00, v33;
	[tilespmem:v15+s23+$0x0] =	vst.idx.msk $0xffff, v41;
	v49 =	vadd.s32 v3, v11;
	v5 =	vadd.f32 v43, v4;
	v51 =	vld [tilespmem:s16+$0x30]  }
0x11d: {  	[tilespmem:v6+s23+$0x0] =	vst.idx.msk $0xffff, v45;
	v52 =	vadd.f32 v47, v4;
	v53 =	vmul.f32 $8.000000000e+00, v24;
	v54 =	vadd.s32 v3, v31  }
0x11e: {  	v55 =	vadd.s32 v3, v12;
	[tilespmem:v39+s23+$0x0] =	vst.idx.msk $0xffff, v5;
	v5 =	vadd.f32 v50, v4;
	v56 =	vmul.f32 $8.000000000e+00, v40  }
0x11f: {  	v58 =	vadd.s32 v3, v20;
	[tilespmem:v42+s23+$0x0] =	vst.idx.msk $0xffff, v52;
	v57 =	vadd.f32 v53, v4;
	v59 =	vmul.f32 $8.000000000e+00, v44  }
0x120: {  	v60 =	vadd.s32 v3, v35;
	[tilespmem:v46+s23+$0x0] =	vst.idx.msk $0xffff, v5;
	v61 =	vmul.f32 $8.000000000e+00, v48;
	v5 =	vadd.f32 v56, v4  }
0x121: {  	[tilespmem:v49+s23+$0x0] =	vst.idx.msk $0xffff, v57;
	v63 =	vmul.f32 $8.000000000e+00, v51;
	v62 =	vadd.f32 v59, v4  }
0x122: {  	[tilespmem:v54+s23+$0x0] =	vst.idx.msk $0xffff, v5;
	v5 =	vadd.f32 v61, v4  }
0x123: {  	s14 =	sshll.u32 s14, $0x12;
	v4 =	vadd.f32 v63, v4;
	[tilespmem:v55+s23+$0x0] =	vst.idx.msk $0xffff, v62  }
0x124: {  	s17 =	simm.s32 @!p0 $0xB600;
	s14 =	sor.u32 s4, s14;
	s15 =	sadd.s32 @!p0 $0x280, s10;
	[tilespmem:v58+s23+$0x0] =	vst.idx.msk $0xffff, v5  }
0x125: {  	s14 =	sshrl.u32 s14, $0x3;
	s15 =	sand.u32 @!p0 $0xFE80, s15;
	s16 =	simm.s32 @!p0 $0x80;
	[tilespmem:v60+s23+$0x0] =	vst.idx.msk $0xffff, v4  }
0x126: {  	[tilespmem:s17], [sflag:$0x2] =	stream.indirect.gather @!p0 [hbm4b:s5+s16], $0x40, s15, s16, $0xb8;
	[tilespmem:$0x19E00] =	vst v63  }
0x127: {  	s19 =	simm.s32 $0x13800;
	s15 =	sadd.s32 s1, s14  }
0x128: {  	[hbm4b:s15+s3] =	stream.linear.scatter [tilespmem:s19], [sflag:$0x6], $0x80, $0x38;
	[tilespmem:$0x19E00] =	vst v63  }
0x129: {  	s16 =	simm.s32 $0x13888;
	s17 =	sadd.s32 $0x10, s15  }
0x12a: {  	[hbm4b:s17+s3] =	stream.linear.scatter [tilespmem:s16], [sflag:$0x6], $0x80, $0x38;
	[tilespmem:$0x19E00] =	vst v63  }
0x12b: {  	s18 =	simm.s32 $0x13910;
	s19 =	sadd.s32 $0x20, s15  }
0x12c: {  	[hbm4b:s19+s3] =	stream.linear.scatter [tilespmem:s18], [sflag:$0x6], $0x80, $0x38;
	[tilespmem:$0x19E00] =	vst v63  }
0x12d: {  	s16 =	simm.s32 $0x13998;
	s17 =	sadd.s32 $0x30, s15  }
0x12e: {  	[hbm4b:s17+s3] =	stream.linear.scatter [tilespmem:s16], [sflag:$0x6], $0x80, $0x38;
	[tilespmem:$0x19E00] =	vst v63  }
0x12f: {  	s18 =	simm.s32 $0x13A20;
	s19 =	sadd.s32 $0x40, s15  }
0x130: {  	[hbm4b:s19+s3] =	stream.linear.scatter [tilespmem:s18], [sflag:$0x6], $0x80, $0x38;
	[tilespmem:$0x19E00] =	vst v63  }
0x131: {  	s14 =	simm.s32 $0x440;
	s16 =	simm.s32 $0x13AA8;
	s17 =	sadd.s32 $0x50, s15  }
0x132: {  	[hbm4b:s17+s3] =	stream.linear.scatter [tilespmem:s16], [sflag:$0x6], $0x80, $0x38;
	[tilespmem:$0x19E00] =	vst v63  }
0x133: {  	s18 =	simm.s32 $0x13B30;
	s19 =	sadd.s32 $0x60, s15;
	s16 =	simm.s32 $0x2200  }
0x134: {  	[hbm4b:s19+s3] =	stream.linear.scatter [tilespmem:s18], [sflag:$0x6], $0x80, $0x38;
	[tilespmem:$0x19E00] =	vst v63  }
0x135: {  	s17 =	simm.s32 $0x13BB8;
	s18 =	sadd.s32 $0x70, s15;
	s15 =	sadd.s32 $0x1000, s15  }
.LBB2_9:
0x136: {  	[hbm4b:s18+s3] =	stream.linear.scatter [tilespmem:s17], [sflag:$0x6], $0x80, $0x38;
	[tilespmem:$0x19E00] =	vst v63  }
0x137: {  	s17 =	smov.u32 s14;
	s14 =	smov.u32 s16  }
0x138: {  	s19 =	sadd.s32 $0x1100, s16;
	s14 =	sshra.s32 s14, $0x2;
	s18 =	sadd.s32 $0x13800, s17  }
0x139: {  	[hbm4b:s15+s3] =	stream.linear.scatter [tilespmem:s18], [sflag:$0x6], $0x80, $0x38;
	[tilespmem:$0x19E00] =	vst v63  }
0x13a: {  	p2 =	sne.s32 s16, $0x7700;
	s16 =	sadd.s32 $0x13888, s17;
	s18 =	sadd.s32 $0x10, s15  }
0x13b: {  	[hbm4b:s18+s3] =	stream.linear.scatter [tilespmem:s16], [sflag:$0x6], $0x80, $0x38;
	[tilespmem:$0x19E00] =	vst v63  }
0x13c: {  	s16 =	sadd.s32 $0x13910, s17;
	s18 =	sadd.s32 $0x20, s15  }
0x13d: {  	[hbm4b:s18+s3] =	stream.linear.scatter [tilespmem:s16], [sflag:$0x6], $0x80, $0x38;
	[tilespmem:$0x19E00] =	vst v63  }
0x13e: {  	s16 =	sadd.s32 $0x13998, s17;
	s18 =	sadd.s32 $0x30, s15  }
0x13f: {  	[hbm4b:s18+s3] =	stream.linear.scatter [tilespmem:s16], [sflag:$0x6], $0x80, $0x38;
	[tilespmem:$0x19E00] =	vst v63  }
0x140: {  	s16 =	sadd.s32 $0x13A20, s17;
	s18 =	sadd.s32 $0x40, s15  }
0x141: {  	[hbm4b:s18+s3] =	stream.linear.scatter [tilespmem:s16], [sflag:$0x6], $0x80, $0x38;
	[tilespmem:$0x19E00] =	vst v63  }
.Ltmp3:
0x142: {  	s16 =	sadd.s32 $0x13AA8, s17;
	s18 =	sadd.s32 $0x50, s15;
	(pc) =	sbr.rel @p2 .LBB2_9-.Ltmp3, $4  }
0x143: {  	[hbm4b:s18+s3] =	stream.linear.scatter [tilespmem:s16], [sflag:$0x6], $0x80, $0x38;
	[tilespmem:$0x19E00] =	vst v63  }
0x144: {  	s16 =	sadd.s32 $0x13B30, s17;
	s18 =	sadd.s32 $0x60, s15;
	s17 =	sadd.s32 $0x13BB8, s17  }
0x145: {  	[hbm4b:s18+s3] =	stream.linear.scatter [tilespmem:s16], [sflag:$0x6], $0x80, $0x38;
	[tilespmem:$0x19E00] =	vst v63  }
0x146: {  	s18 =	sadd.s32 $0x70, s15;
	s15 =	sadd.s32 $0x1000, s15;
	s16 =	smov.u32 s19  }
0x147: {  	[hbm4b:s18+s3] =	stream.linear.scatter [tilespmem:s17], [sflag:$0x6], $0x80, $0x38;
	[tilespmem:$0x19E00] =	vst v63  }
0x148: {  	s16 =	sadd.s32 $0x13800, s14  }
0x149: {  	[hbm4b:s15+s3] =	stream.linear.scatter [tilespmem:s16], [sflag:$0x6], $0x80, $0x38;
	[tilespmem:$0x19E00] =	vst v63  }
0x14a: {  	s18 =	sadd.s32 $0x13888, s14;
	s19 =	sadd.s32 $0x10, s15  }
0x14b: {  	[hbm4b:s19+s3] =	stream.linear.scatter [tilespmem:s18], [sflag:$0x6], $0x80, $0x38;
	[tilespmem:$0x19E00] =	vst v63  }
0x14c: {  	s18 =	sadd.s32 $0x13910, s14;
	s19 =	sadd.s32 $0x20, s15  }
0x14d: {  	[hbm4b:s19+s3] =	stream.linear.scatter [tilespmem:s18], [sflag:$0x6], $0x80, $0x38;
	[tilespmem:$0x19E00] =	vst v63  }
0x14e: {  	s18 =	sadd.s32 $0x13998, s14;
	s19 =	sadd.s32 $0x30, s15  }
0x14f: {  	[hbm4b:s19+s3] =	stream.linear.scatter [tilespmem:s18], [sflag:$0x6], $0x80, $0x38;
	[tilespmem:$0x19E00] =	vst v63  }
0x150: {  	s18 =	sadd.s32 $0x13A20, s14;
	s19 =	sadd.s32 $0x40, s15  }
0x151: {  	[hbm4b:s19+s3] =	stream.linear.scatter [tilespmem:s18], [sflag:$0x6], $0x80, $0x38;
	[tilespmem:$0x19E00] =	vst v63  }
0x152: {  	s18 =	sadd.s32 $0x13AA8, s14;
	s19 =	sadd.s32 $0x50, s15  }
0x153: {  	[hbm4b:s19+s3] =	stream.linear.scatter [tilespmem:s18], [sflag:$0x6], $0x80, $0x38;
	[tilespmem:$0x19E00] =	vst v63  }
0x154: {  	s18 =	sadd.s32 $0x13B30, s14;
	s19 =	sadd.s32 $0x60, s15  }
0x155: {  	[hbm4b:s19+s3] =	stream.linear.scatter [tilespmem:s18], [sflag:$0x6], $0x80, $0x38;
	[tilespmem:$0x19E00] =	vst v63  }
0x156: {  	s17 =	sadd.s32 $0x70, s15;
	s16 =	sadd.s32 $0x13BB8, s14  }
0x157: {  	[hbm4b:s17+s3] =	stream.linear.scatter [tilespmem:s16], [sflag:$0x6], $0x80, $0x38;
	[tilespmem:$0x19E00] =	vst v63  }
0x158: {  	_ =	swait.ge [sflag:s24], $0x2000  }
0x159: {  	[sflag:s24] =	ssyncset.done $0x0  }
0x15a: {  	s15 =	simm.s32 @!p1 $0x7;
	[sflag:s24] =	ssyncadd.s32 $0xFFFFE000  }
0x15b: {  	_ =	swait.ge @!p1 [sflag:s15], $0x2000  }
0x15c: {  	[sflag:s15] =	ssyncset.done @!p1 $0x0  }
0x15d: {  	s14 =	sor.u32 $0x2, s12;
	s16 =	simm.s32 $0xD680;
	[sflag:s15] =	ssyncadd.s32 @!p1 $0xFFFFE000  }
0x15e: {  	s18 =	sshll.u32 s14, $0x6;
	v4 =	vld [tilespmem:s16+$0x40]  }
0x15f: {  	s19 =	simm.s32 $0x3;
	s15 =	sand.u32 $0x3FFFFFC0, s18  }
0x160: {  	v5 =	vmov s19;
	v10 =	vld [tilespmem:s15+$0x6400]  }
0x161: {  	v15 =	vand.u32 $0x7F, v5  }
0x162: {  	v9 =	vadd.s32 v0, v15;
	v8 =	vld [tilespmem:s16+$0xFFFFFF80]  }
0x163: {  	s18 =	simm.s32 $0x0;
	v11 =	vld [tilespmem:s16+$0xFFFFFFC0];
	v4 =	vmul.f32 $8.000000000e+00, v4  }
0x164: {  	s19 =	simm.s32 $0x1;
	v6 =	vmov s18;
	v12 =	vld [tilespmem:s16+$0x0]  }
0x165: {  	v7 =	vld [tilespmem:s15+$0x6410];
	s18 =	simm.s32 $0x2;
	v14 =	vand.u32 $0x7C, v6;
	v6 =	vmov s19;
	v13 =	vadd.f32 v4, v10  }
0x166: {  	v5 =	vld [tilespmem:s15+$0x6420];
	v17 =	vmov s18;
	v16 =	vadd.s32 v0, v14;
	v30 =	vand.u32 $0x7D, v6  }
0x167: {  	v6 =	vand.u32 $0x7E, v17;
	v17 =	vadd.s32 v0, v30;
	v8 =	vmul.f32 $8.000000000e+00, v8;
	v4 =	vld [tilespmem:s15+$0x6430];
	[tilespmem:v9+s25+$0x0] =	vst.idx.msk $0xffff, v13  }
0x168: {  	v9 =	vmul.f32 $8.000000000e+00, v11;
	v11 =	vadd.s32 v0, v6;
	v13 =	vld [tilespmem:s16+$0x50]  }
0x169: {  	v12 =	vmul.f32 $8.000000000e+00, v12;
	v8 =	vadd.f32 v8, v10  }
0x16a: {  	v9 =	vadd.f32 v9, v10  }
0x16b: {  	[tilespmem:v16+s25+$0x0] =	vst.idx.msk $0xffff, v8;
	v8 =	vadd.f32 v12, v10  }
0x16c: {  	v12 =	vld [tilespmem:s16+$0xFFFFFF90];
	[tilespmem:v17+s25+$0x0] =	vst.idx.msk $0xffff, v9;
	v9 =	vadd.s32 v1, v15  }
0x16d: {  	v16 =	vld [tilespmem:s16+$0xFFFFFFD0];
	[tilespmem:v11+s25+$0x0] =	vst.idx.msk $0xffff, v8;
	v8 =	vmul.f32 $8.000000000e+00, v13  }
0x16e: {  	s15 =	simm.s32 $0xD780;
	v11 =	vld [tilespmem:s16+$0x10]  }
0x16f: {  	v19 =	vld [tilespmem:s15+$0x40];
	v8 =	vadd.f32 v8, v7  }
0x170: {  	v26 =	vadd.s32 v2, v15;
	s19 =	simm.s32 $0x4;
	v13 =	vadd.s32 v1, v14  }
0x171: {  	v18 =	vadd.s32 v1, v30;
	v17 =	vmov s19;
	v12 =	vmul.f32 $8.000000000e+00, v12;
	[tilespmem:v9+s25+$0x0] =	vst.idx.msk $0xffff, v8  }
0x172: {  	s18 =	simm.s32 $0x7;
	v8 =	vand.u32 $0x7C, v17;
	v9 =	vmul.f32 $8.000000000e+00, v16;
	v16 =	vadd.s32 v1, v6;
	v17 =	vld [tilespmem:s16+$0x60]  }
0x173: {  	v21 =	vmov s18;
	v20 =	vld [tilespmem:s15+$0xFFFFFF80];
	v12 =	vadd.f32 v12, v7;
	v11 =	vmul.f32 $8.000000000e+00, v11  }
0x174: {  	v24 =	vld [tilespmem:s15+$0xFFFFFFC0];
	v19 =	vmul.f32 $8.000000000e+00, v19;
	v23 =	vadd.f32 v9, v7;
	v9 =	vand.u32 $0x7F, v21  }
0x175: {  	s19 =	simm.s32 $0x5;
	[tilespmem:v13+s25+$0x0] =	vst.idx.msk $0xffff, v12;
	v12 =	vld [tilespmem:s15+$0x0];
	v11 =	vadd.f32 v11, v7;
	v25 =	vadd.s32 v0, v9  }
0x176: {  	s18 =	simm.s32 $0x6;
	v19 =	vadd.f32 v19, v10;
	v22 =	vadd.s32 v0, v8;
	v21 =	vmov s19;
	[tilespmem:v18+s25+$0x0] =	vst.idx.msk $0xffff, v23;
	v23 =	vld [tilespmem:s16+$0xFFFFFFA0]  }
0x177: {  	v13 =	vand.u32 $0x7D, v21;
	v18 =	vmov s18;
	[tilespmem:v16+s25+$0x0] =	vst.idx.msk $0xffff, v11;
	v16 =	vld [tilespmem:s16+$0xFFFFFFE0];
	v17 =	vmul.f32 $8.000000000e+00, v17  }
0x178: {  	v11 =	vand.u32 $0x7E, v18;
	v18 =	vmul.f32 $8.000000000e+00, v20;
	v20 =	vadd.s32 v0, v13;
	v21 =	vld [tilespmem:s16+$0x20]  }
0x179: {  	v24 =	vmul.f32 $8.000000000e+00, v24;
	v27 =	vadd.s32 v0, v11;
	v17 =	vadd.f32 v17, v5  }
0x17a: {  	v12 =	vmul.f32 $8.000000000e+00, v12;
	v18 =	vadd.f32 v18, v10;
	[tilespmem:v25+s25+$0x0] =	vst.idx.msk $0xffff, v19;
	v19 =	vadd.s32 v2, v14  }
0x17b: {  	v24 =	vadd.f32 v24, v10;
	v25 =	vld [tilespmem:s15+$0x50];
	v23 =	vmul.f32 $8.000000000e+00, v23;
	[tilespmem:v26+s25+$0x0] =	vst.idx.msk $0xffff, v17;
	v17 =	vadd.s32 v2, v30  }
0x17c: {  	[tilespmem:v22+s25+$0x0] =	vst.idx.msk $0xffff, v18;
	v18 =	vadd.f32 v12, v10;
	v16 =	vmul.f32 $8.000000000e+00, v16;
	v26 =	vadd.s32 v2, v6;
	v22 =	vld [tilespmem:s16+$0x70]  }
0x17d: {  	s17 =	simm.s32 $0x8;
	v28 =	vld [tilespmem:s15+$0xFFFFFF90];
	[tilespmem:v20+s25+$0x0] =	vst.idx.msk $0xffff, v24;
	v21 =	vmul.f32 $8.000000000e+00, v21;
	v23 =	vadd.f32 v23, v5  }
0x17e: {  	v31 =	vadd.s32 v1, v9;
	v12 =	vmov s17;
	v24 =	vld [tilespmem:s15+$0xFFFFFFD0];
	[tilespmem:v27+s25+$0x0] =	vst.idx.msk $0xffff, v18;
	v16 =	vadd.f32 v16, v5  }
0x17f: {  	s19 =	simm.s32 $0x9;
	v14 =	vadd.s32 v3, v14;
	v12 =	vand.u32 $0x7C, v12;
	v27 =	vld [tilespmem:s15+$0x10];
	v29 =	vadd.f32 v21, v5;
	[tilespmem:v19+s25+$0x0] =	vst.idx.msk $0xffff, v23  }
0x180: {  	v20 =	vmov s19;
	v19 =	vadd.s32 v3, v15;
	v32 =	vmul.f32 $8.000000000e+00, v25;
	v21 =	vld [tilespmem:s16+$0xFFFFFFB0];
	[tilespmem:v17+s25+$0x0] =	vst.idx.msk $0xffff, v16  }
0x181: {  	v18 =	vadd.s32 v0, v12;
	v25 =	vadd.s32 v1, v8;
	[tilespmem:v26+s25+$0x0] =	vst.idx.msk $0xffff, v29;
	v15 =	vmul.f32 $8.000000000e+00, v22;
	v17 =	vld [tilespmem:s16+$0xFFFFFFF0]  }
0x182: {  	v23 =	vadd.s32 v1, v13;
	v28 =	vmul.f32 $8.000000000e+00, v28;
	v32 =	vadd.f32 v32, v7;
	v16 =	vld [tilespmem:s16+$0x30]  }
0x183: {  	v26 =	vmul.f32 $8.000000000e+00, v24;
	v22 =	vadd.s32 v1, v11;
	s16 =	simm.s32 $0xD880;
	v24 =	vadd.f32 v15, v4  }
0x184: {  	s18 =	simm.s32 $0xC;
	v29 =	vld [tilespmem:s16+$0x40];
	v28 =	vadd.f32 v28, v7;
	v27 =	vmul.f32 $8.000000000e+00, v27;
	[tilespmem:v31+s25+$0x0] =	vst.idx.msk $0xffff, v32;
	v15 =	vadd.s32 v3, v30  }
.LBB2_11:
0x185: {  	p2 =	slt.u32 s18, $0x7C;
	s19 =	sadd.s32 $0x3, s17;
	v26 =	vadd.f32 v26, v7;
	v30 =	vld [tilespmem:s15+$0x60];
	v21 =	vmul.f32 $8.000000000e+00, v21;
	v31 =	vadd.s32 v3, v6;
	[tilespmem:v19+s25+$0x0] =	vst.idx.msk $0xffff, v24  }
0x186: {  	v32 =	vmovc v13;
	v6 =	vmovc v11;
	v19 =	vld [tilespmem:s16+$0xFFFFFF80];
	v24 =	vmov s19;
	[tilespmem:v25+s25+$0x0] =	vst.idx.msk $0xffff, v28;
	v25 =	vadd.f32 v27, v7;
	v17 =	vmul.f32 $8.000000000e+00, v17  }
0x187: {  	s19 =	sadd.s32 $0x2, s17;
	s17 =	smov.u32 s18;
	v27 =	vld [tilespmem:s16+$0xFFFFFFC0];
	v24 =	vand.u32 $0x7F, v24;
	[tilespmem:v23+s25+$0x0] =	vst.idx.msk $0xffff, v26;
	v11 =	vadd.f32 v21, v4;
	v13 =	vmul.f32 $8.000000000e+00, v16  }
0x188: {  	v16 =	vmov s19;
	v21 =	vld [tilespmem:s16+$0x0];
	v23 =	vadd.s32 v0, v24;
	[tilespmem:v22+s25+$0x0] =	vst.idx.msk $0xffff, v25;
	v17 =	vadd.f32 v17, v4  }
0x189: {  	v26 =	vadd.s32 v2, v9;
	v22 =	vmul.f32 $8.000000000e+00, v29;
	v25 =	vld [tilespmem:s15+$0xFFFFFFA0];
	[tilespmem:v14+s25+$0x0] =	vst.idx.msk $0xffff, v11;
	v14 =	vadd.f32 v13, v4  }
0x18a: {  	v13 =	vand.u32 $0x7D, v20;
	v11 =	vand.u32 $0x7E, v16;
	v16 =	vld [tilespmem:s15+$0xFFFFFFE0];
	v20 =	vmul.f32 $8.000000000e+00, v30;
	[tilespmem:v15+s25+$0x0] =	vst.idx.msk $0xffff, v17  }
0x18b: {  	v17 =	vadd.s32 v0, v13;
	v15 =	vmul.f32 $8.000000000e+00, v19;
	v19 =	vadd.f32 v22, v10;
	v22 =	vld [tilespmem:s15+$0x20];
	[tilespmem:v31+s25+$0x0] =	vst.idx.msk $0xffff, v14  }
0x18c: {  	v14 =	vmul.f32 $8.000000000e+00, v27;
	v27 =	vadd.s32 v0, v11;
	v20 =	vadd.f32 v20, v5  }
0x18d: {  	v15 =	vadd.f32 v15, v10;
	v21 =	vmul.f32 $8.000000000e+00, v21;
	[tilespmem:v23+s25+$0x0] =	vst.idx.msk $0xffff, v19;
	v19 =	vadd.s32 v2, v8  }
0x18e: {  	v28 =	vadd.s32 v2, v32;
	v14 =	vadd.f32 v14, v10;
	v23 =	vld [tilespmem:s16+$0x50];
	v25 =	vmul.f32 $8.000000000e+00, v25;
	[tilespmem:v26+s25+$0x0] =	vst.idx.msk $0xffff, v20  }
0x18f: {  	v26 =	vadd.s32 v2, v6;
	[tilespmem:v18+s25+$0x0] =	vst.idx.msk $0xffff, v15;
	v15 =	vadd.f32 v21, v10;
	v16 =	vmul.f32 $8.000000000e+00, v16;
	v29 =	vld [tilespmem:s15+$0x70]  }
0x190: {  	v18 =	vmov s18;
	v30 =	vld [tilespmem:s16+$0xFFFFFF90];
	[tilespmem:v17+s25+$0x0] =	vst.idx.msk $0xffff, v14;
	v14 =	vadd.f32 v25, v5;
	v17 =	vmul.f32 $8.000000000e+00, v22  }
0x191: {  	s19 =	sadd.s32 $0x1, s18;
	v31 =	vand.u32 $0x7C, v18;
	v22 =	vld [tilespmem:s16+$0xFFFFFFD0];
	[tilespmem:v27+s25+$0x0] =	vst.idx.msk $0xffff, v15;
	v15 =	vadd.f32 v16, v5  }
0x192: {  	v33 =	vadd.s32 v1, v24;
	v20 =	vmov s19;
	v27 =	vld [tilespmem:s16+$0x10];
	[tilespmem:v19+s25+$0x0] =	vst.idx.msk $0xffff, v14;
	v16 =	vadd.f32 v17, v5  }
.Ltmp4:
0x193: {  	v14 =	vadd.s32 v3, v8;
	v19 =	vadd.s32 v3, v9;
	v34 =	vmul.f32 $8.000000000e+00, v23;
	v21 =	vld [tilespmem:s15+$0xFFFFFFB0];
	[tilespmem:v28+s25+$0x0] =	vst.idx.msk $0xffff, v15;
	(pc) =	sbr.rel @p2 .LBB2_11-.Ltmp4, $4  }
0x194: {  	v25 =	vadd.s32 v1, v12;
	v18 =	vadd.s32 v0, v31;
	v17 =	vld [tilespmem:s15+$0xFFFFFFF0];
	[tilespmem:v26+s25+$0x0] =	vst.idx.msk $0xffff, v16;
	v15 =	vmul.f32 $8.000000000e+00, v29  }
0x195: {  	v9 =	vmovc v24;
	v8 =	vmovc v12;
	v23 =	vadd.s32 v1, v13;
	v28 =	vmul.f32 $8.000000000e+00, v30;
	v30 =	vadd.f32 v34, v7;
	v16 =	vld [tilespmem:s15+$0x30];
	s15 =	smov.u32 s16  }
0x196: {  	v12 =	vmovc v31;
	s16 =	sadd.s32 $0x100, s16;
	v26 =	vmul.f32 $8.000000000e+00, v22;
	v22 =	vadd.s32 v1, v11;
	v24 =	vadd.f32 v15, v4  }
0x197: {  	s18 =	sadd.s32 $0x4, s18;
	v15 =	vadd.s32 v3, v32;
	v29 =	vld [tilespmem:s16+$0x40];
	v28 =	vadd.f32 v28, v7;
	v27 =	vmul.f32 $8.000000000e+00, v27;
	[tilespmem:v33+s25+$0x0] =	vst.idx.msk $0xffff, v30  }
0x198: {  	s18 =	sadd.s32 $0x3, s17;
	v30 =	vld [tilespmem:s16+$0xFFFFFF80]  }
0x199: {  	v32 =	vld [tilespmem:s16+$0xFFFFFFC0];
	v31 =	vmov s18  }
0x19a: {  	v33 =	vld [tilespmem:s16+$0x0];
	v31 =	vand.u32 $0x7F, v31  }
0x19b: {  	s18 =	sadd.s32 $0x2, s17;
	v34 =	vadd.s32 v0, v31  }
0x19c: {  	v20 =	vand.u32 $0x7D, v20;
	v35 =	vmov s18;
	v29 =	vmul.f32 $8.000000000e+00, v29  }
0x19d: {  	v36 =	vadd.s32 v0, v20;
	v35 =	vand.u32 $0x7E, v35;
	v30 =	vmul.f32 $8.000000000e+00, v30  }
0x19e: {  	v37 =	vadd.s32 v0, v35;
	v32 =	vmul.f32 $8.000000000e+00, v32;
	v29 =	vadd.f32 v29, v10  }
0x19f: {  	v33 =	vmul.f32 $8.000000000e+00, v33;
	v30 =	vadd.f32 v30, v10  }
0x1a0: {  	v58 =	vadd.f32 v32, v10;
	[tilespmem:v34+s25+$0x0] =	vst.idx.msk $0xffff, v29  }
0x1a1: {  	v60 =	vadd.f32 v33, v10;
	[tilespmem:v18+s25+$0x0] =	vst.idx.msk $0xffff, v30;
	v59 =	vld [tilespmem:s16+$0x50]  }
0x1a2: {  	[tilespmem:v36+s25+$0x0] =	vst.idx.msk $0xffff, v58;
	v30 =	vld [tilespmem:s16+$0xFFFFFF90]  }
0x1a3: {  	[tilespmem:v37+s25+$0x0] =	vst.idx.msk $0xffff, v60;
	v29 =	vld [tilespmem:s16+$0xFFFFFFD0]  }
0x1a4: {  	v10 =	vld [tilespmem:s16+$0x10]  }
0x1a5: {  	v61 =	vadd.s32 v1, v31  }
0x1a6: {  	v26 =	vadd.f32 v26, v7;
	v62 =	vadd.s32 v1, v12;
	v18 =	vmul.f32 $8.000000000e+00, v59  }
0x1a7: {  	v63 =	vld [tilespmem:s15+$0x60];
	[tilespmem:v25+s25+$0x0] =	vst.idx.msk $0xffff, v28;
	v27 =	vadd.f32 v27, v7;
	v36 =	vadd.s32 v1, v20;
	v34 =	vmul.f32 $8.000000000e+00, v30  }
0x1a8: {  	[tilespmem:v23+s25+$0x0] =	vst.idx.msk $0xffff, v26;
	v39 =	vadd.s32 v1, v35;
	v37 =	vld [tilespmem:s15+$0xFFFFFFA0];
	v38 =	vmul.f32 $8.000000000e+00, v29;
	v18 =	vadd.f32 v18, v7  }
0x1a9: {  	[tilespmem:v22+s25+$0x0] =	vst.idx.msk $0xffff, v27;
	v40 =	vld [tilespmem:s15+$0xFFFFFFE0];
	v10 =	vmul.f32 $8.000000000e+00, v10;
	v41 =	vadd.f32 v34, v7  }
0x1aa: {  	v42 =	vld [tilespmem:s15+$0x20];
	v26 =	vadd.f32 v38, v7;
	[tilespmem:v61+s25+$0x0] =	vst.idx.msk $0xffff, v18  }
0x1ab: {  	v21 =	vmul.f32 $8.000000000e+00, v21;
	v43 =	vadd.s32 v2, v9;
	v44 =	vadd.f32 v10, v7;
	[tilespmem:v62+s25+$0x0] =	vst.idx.msk $0xffff, v41;
	v45 =	vld [tilespmem:s16+$0x60]  }
0x1ac: {  	v46 =	vadd.s32 v2, v8;
	v25 =	vmul.f32 $8.000000000e+00, v63;
	[tilespmem:v36+s25+$0x0] =	vst.idx.msk $0xffff, v26;
	v47 =	vld [tilespmem:s16+$0xFFFFFFA0]  }
0x1ad: {  	v48 =	vadd.s32 v2, v13;
	v21 =	vadd.f32 v21, v4;
	v23 =	vmul.f32 $8.000000000e+00, v37;
	[tilespmem:v39+s25+$0x0] =	vst.idx.msk $0xffff, v44;
	v49 =	vld [tilespmem:s16+$0xFFFFFFE0]  }
0x1ae: {  	[tilespmem:v19+s25+$0x0] =	vst.idx.msk $0xffff, v24;
	v51 =	vadd.s32 v2, v11;
	v50 =	vadd.f32 v25, v5;
	v22 =	vmul.f32 $8.000000000e+00, v40;
	v52 =	vld [tilespmem:s16+$0x20]  }
0x1af: {  	v54 =	vadd.s32 v2, v31;
	[tilespmem:v14+s25+$0x0] =	vst.idx.msk $0xffff, v21;
	v53 =	vadd.f32 v23, v5;
	v18 =	vmul.f32 $8.000000000e+00, v42  }
0x1b0: {  	v56 =	vadd.s32 v2, v12;
	[tilespmem:v43+s25+$0x0] =	vst.idx.msk $0xffff, v50;
	v55 =	vadd.f32 v22, v5;
	v10 =	vmul.f32 $8.000000000e+00, v45  }
0x1b1: {  	v60 =	vadd.s32 v2, v20;
	v57 =	vld [tilespmem:s15+$0x70];
	[tilespmem:v46+s25+$0x0] =	vst.idx.msk $0xffff, v53;
	v58 =	vadd.f32 v18, v5;
	v59 =	vmul.f32 $8.000000000e+00, v47  }
0x1b2: {  	v32 =	vadd.s32 v2, v35;
	[tilespmem:v48+s25+$0x0] =	vst.idx.msk $0xffff, v55;
	v61 =	vld [tilespmem:s15+$0xFFFFFFB0];
	v63 =	vmul.f32 $8.000000000e+00, v49;
	v62 =	vadd.f32 v10, v5  }
0x1b3: {  	v33 =	vld [tilespmem:s15+$0xFFFFFFF0];
	[tilespmem:v51+s25+$0x0] =	vst.idx.msk $0xffff, v58;
	v36 =	vmul.f32 $8.000000000e+00, v52;
	v34 =	vadd.f32 v59, v5  }
0x1b4: {  	v6 =	vadd.s32 v3, v6;
	v17 =	vmul.f32 $8.000000000e+00, v17;
	v24 =	vld [tilespmem:s15+$0x30];
	v37 =	vadd.f32 v63, v5;
	[tilespmem:v54+s25+$0x0] =	vst.idx.msk $0xffff, v62  }
0x1b5: {  	v38 =	vmul.f32 $8.000000000e+00, v16;
	v39 =	vadd.s32 v3, v9;
	v5 =	vadd.f32 v36, v5;
	v40 =	vld [tilespmem:s16+$0x70];
	[tilespmem:v56+s25+$0x0] =	vst.idx.msk $0xffff, v34  }
0x1b6: {  	v43 =	vmul.f32 $8.000000000e+00, v57;
	v42 =	vadd.s32 v3, v8;
	v41 =	vadd.f32 v17, v4;
	[tilespmem:v60+s25+$0x0] =	vst.idx.msk $0xffff, v37;
	v44 =	vld [tilespmem:s16+$0xFFFFFFB0]  }
0x1b7: {  	v46 =	vadd.s32 v3, v13;
	v45 =	vadd.f32 v38, v4;
	v47 =	vmul.f32 $8.000000000e+00, v61;
	[tilespmem:v32+s25+$0x0] =	vst.idx.msk $0xffff, v5;
	v48 =	vld [tilespmem:s16+$0xFFFFFFF0]  }
0x1b8: {  	v50 =	vmul.f32 $8.000000000e+00, v33;
	[tilespmem:v15+s25+$0x0] =	vst.idx.msk $0xffff, v41;
	v49 =	vadd.s32 v3, v11;
	v5 =	vadd.f32 v43, v4;
	v51 =	vld [tilespmem:s16+$0x30]  }
0x1b9: {  	[tilespmem:v6+s25+$0x0] =	vst.idx.msk $0xffff, v45;
	v52 =	vadd.f32 v47, v4;
	v53 =	vmul.f32 $8.000000000e+00, v24;
	v54 =	vadd.s32 v3, v31  }
0x1ba: {  	v55 =	vadd.s32 v3, v12;
	[tilespmem:v39+s25+$0x0] =	vst.idx.msk $0xffff, v5;
	v5 =	vadd.f32 v50, v4;
	v56 =	vmul.f32 $8.000000000e+00, v40  }
0x1bb: {  	v58 =	vadd.s32 v3, v20;
	[tilespmem:v42+s25+$0x0] =	vst.idx.msk $0xffff, v52;
	v57 =	vadd.f32 v53, v4;
	v59 =	vmul.f32 $8.000000000e+00, v44  }
0x1bc: {  	v60 =	vadd.s32 v3, v35;
	[tilespmem:v46+s25+$0x0] =	vst.idx.msk $0xffff, v5;
	v61 =	vmul.f32 $8.000000000e+00, v48;
	v5 =	vadd.f32 v56, v4  }
0x1bd: {  	[tilespmem:v49+s25+$0x0] =	vst.idx.msk $0xffff, v57;
	v63 =	vmul.f32 $8.000000000e+00, v51;
	v62 =	vadd.f32 v59, v4  }
0x1be: {  	[tilespmem:v54+s25+$0x0] =	vst.idx.msk $0xffff, v5;
	v5 =	vadd.f32 v61, v4  }
0x1bf: {  	s14 =	sshll.u32 s14, $0x12;
	v4 =	vadd.f32 v63, v4;
	[tilespmem:v55+s25+$0x0] =	vst.idx.msk $0xffff, v62  }
0x1c0: {  	s17 =	simm.s32 @!p0 $0xD600;
	s14 =	sor.u32 s4, s14;
	s15 =	sadd.s32 @!p0 $0x300, s10;
	[tilespmem:v58+s25+$0x0] =	vst.idx.msk $0xffff, v5  }
0x1c1: {  	s14 =	sshrl.u32 s14, $0x3;
	s15 =	sand.u32 @!p0 $0xFF00, s15;
	s16 =	simm.s32 @!p0 $0x80;
	[tilespmem:v60+s25+$0x0] =	vst.idx.msk $0xffff, v4  }
0x1c2: {  	[tilespmem:s17], [sflag:$0x3] =	stream.indirect.gather @!p0 [hbm4b:s5+s16], $0x40, s15, s16, $0xb8;
	[tilespmem:$0x19E00] =	vst v63  }
0x1c3: {  	s19 =	simm.s32 $0x15A00;
	s15 =	sadd.s32 s1, s14  }
0x1c4: {  	[hbm4b:s15+s3] =	stream.linear.scatter [tilespmem:s19], [sflag:$0x7], $0x80, $0x38;
	[tilespmem:$0x19E00] =	vst v63  }
0x1c5: {  	s16 =	simm.s32 $0x15A88;
	s17 =	sadd.s32 $0x10, s15  }
0x1c6: {  	[hbm4b:s17+s3] =	stream.linear.scatter [tilespmem:s16], [sflag:$0x7], $0x80, $0x38;
	[tilespmem:$0x19E00] =	vst v63  }
0x1c7: {  	s18 =	simm.s32 $0x15B10;
	s19 =	sadd.s32 $0x20, s15  }
0x1c8: {  	[hbm4b:s19+s3] =	stream.linear.scatter [tilespmem:s18], [sflag:$0x7], $0x80, $0x38;
	[tilespmem:$0x19E00] =	vst v63  }
0x1c9: {  	s16 =	simm.s32 $0x15B98;
	s17 =	sadd.s32 $0x30, s15  }
0x1ca: {  	[hbm4b:s17+s3] =	stream.linear.scatter [tilespmem:s16], [sflag:$0x7], $0x80, $0x38;
	[tilespmem:$0x19E00] =	vst v63  }
0x1cb: {  	s18 =	simm.s32 $0x15C20;
	s19 =	sadd.s32 $0x40, s15  }
0x1cc: {  	[hbm4b:s19+s3] =	stream.linear.scatter [tilespmem:s18], [sflag:$0x7], $0x80, $0x38;
	[tilespmem:$0x19E00] =	vst v63  }
0x1cd: {  	s14 =	simm.s32 $0x440;
	s16 =	simm.s32 $0x15CA8;
	s17 =	sadd.s32 $0x50, s15  }
0x1ce: {  	[hbm4b:s17+s3] =	stream.linear.scatter [tilespmem:s16], [sflag:$0x7], $0x80, $0x38;
	[tilespmem:$0x19E00] =	vst v63  }
0x1cf: {  	s18 =	simm.s32 $0x15D30;
	s19 =	sadd.s32 $0x60, s15;
	s16 =	simm.s32 $0x2200  }
0x1d0: {  	[hbm4b:s19+s3] =	stream.linear.scatter [tilespmem:s18], [sflag:$0x7], $0x80, $0x38;
	[tilespmem:$0x19E00] =	vst v63  }
0x1d1: {  	s17 =	simm.s32 $0x15DB8;
	s18 =	sadd.s32 $0x70, s15;
	s15 =	sadd.s32 $0x1000, s15  }
.LBB2_13:
0x1d2: {  	[hbm4b:s18+s3] =	stream.linear.scatter [tilespmem:s17], [sflag:$0x7], $0x80, $0x38;
	[tilespmem:$0x19E00] =	vst v63  }
0x1d3: {  	s17 =	smov.u32 s14;
	s14 =	smov.u32 s16  }
0x1d4: {  	s19 =	sadd.s32 $0x1100, s16;
	s14 =	sshra.s32 s14, $0x2;
	s18 =	sadd.s32 $0x15A00, s17  }
0x1d5: {  	[hbm4b:s15+s3] =	stream.linear.scatter [tilespmem:s18], [sflag:$0x7], $0x80, $0x38;
	[tilespmem:$0x19E00] =	vst v63  }
0x1d6: {  	p2 =	sne.s32 s16, $0x7700;
	s16 =	sadd.s32 $0x15A88, s17;
	s18 =	sadd.s32 $0x10, s15  }
0x1d7: {  	[hbm4b:s18+s3] =	stream.linear.scatter [tilespmem:s16], [sflag:$0x7], $0x80, $0x38;
	[tilespmem:$0x19E00] =	vst v63  }
0x1d8: {  	s16 =	sadd.s32 $0x15B10, s17;
	s18 =	sadd.s32 $0x20, s15  }
0x1d9: {  	[hbm4b:s18+s3] =	stream.linear.scatter [tilespmem:s16], [sflag:$0x7], $0x80, $0x38;
	[tilespmem:$0x19E00] =	vst v63  }
0x1da: {  	s16 =	sadd.s32 $0x15B98, s17;
	s18 =	sadd.s32 $0x30, s15  }
0x1db: {  	[hbm4b:s18+s3] =	stream.linear.scatter [tilespmem:s16], [sflag:$0x7], $0x80, $0x38;
	[tilespmem:$0x19E00] =	vst v63  }
0x1dc: {  	s16 =	sadd.s32 $0x15C20, s17;
	s18 =	sadd.s32 $0x40, s15  }
0x1dd: {  	[hbm4b:s18+s3] =	stream.linear.scatter [tilespmem:s16], [sflag:$0x7], $0x80, $0x38;
	[tilespmem:$0x19E00] =	vst v63  }
.Ltmp5:
0x1de: {  	s16 =	sadd.s32 $0x15CA8, s17;
	s18 =	sadd.s32 $0x50, s15;
	(pc) =	sbr.rel @p2 .LBB2_13-.Ltmp5, $4  }
0x1df: {  	[hbm4b:s18+s3] =	stream.linear.scatter [tilespmem:s16], [sflag:$0x7], $0x80, $0x38;
	[tilespmem:$0x19E00] =	vst v63  }
0x1e0: {  	s16 =	sadd.s32 $0x15D30, s17;
	s18 =	sadd.s32 $0x60, s15;
	s17 =	sadd.s32 $0x15DB8, s17  }
0x1e1: {  	[hbm4b:s18+s3] =	stream.linear.scatter [tilespmem:s16], [sflag:$0x7], $0x80, $0x38;
	[tilespmem:$0x19E00] =	vst v63  }
0x1e2: {  	s18 =	sadd.s32 $0x70, s15;
	s15 =	sadd.s32 $0x1000, s15;
	s16 =	smov.u32 s19  }
0x1e3: {  	[hbm4b:s18+s3] =	stream.linear.scatter [tilespmem:s17], [sflag:$0x7], $0x80, $0x38;
	[tilespmem:$0x19E00] =	vst v63  }
0x1e4: {  	s16 =	sadd.s32 $0x15A00, s14  }
0x1e5: {  	[hbm4b:s15+s3] =	stream.linear.scatter [tilespmem:s16], [sflag:$0x7], $0x80, $0x38;
	[tilespmem:$0x19E00] =	vst v63  }
0x1e6: {  	s18 =	sadd.s32 $0x15A88, s14;
	s19 =	sadd.s32 $0x10, s15  }
0x1e7: {  	[hbm4b:s19+s3] =	stream.linear.scatter [tilespmem:s18], [sflag:$0x7], $0x80, $0x38;
	[tilespmem:$0x19E00] =	vst v63  }
0x1e8: {  	s18 =	sadd.s32 $0x15B10, s14;
	s19 =	sadd.s32 $0x20, s15  }
0x1e9: {  	[hbm4b:s19+s3] =	stream.linear.scatter [tilespmem:s18], [sflag:$0x7], $0x80, $0x38;
	[tilespmem:$0x19E00] =	vst v63  }
0x1ea: {  	s18 =	sadd.s32 $0x15B98, s14;
	s19 =	sadd.s32 $0x30, s15  }
0x1eb: {  	[hbm4b:s19+s3] =	stream.linear.scatter [tilespmem:s18], [sflag:$0x7], $0x80, $0x38;
	[tilespmem:$0x19E00] =	vst v63  }
0x1ec: {  	s18 =	sadd.s32 $0x15C20, s14;
	s19 =	sadd.s32 $0x40, s15  }
0x1ed: {  	[hbm4b:s19+s3] =	stream.linear.scatter [tilespmem:s18], [sflag:$0x7], $0x80, $0x38;
	[tilespmem:$0x19E00] =	vst v63  }
0x1ee: {  	s18 =	sadd.s32 $0x15CA8, s14;
	s19 =	sadd.s32 $0x50, s15  }
0x1ef: {  	[hbm4b:s19+s3] =	stream.linear.scatter [tilespmem:s18], [sflag:$0x7], $0x80, $0x38;
	[tilespmem:$0x19E00] =	vst v63  }
0x1f0: {  	s18 =	sadd.s32 $0x15D30, s14;
	s19 =	sadd.s32 $0x60, s15  }
0x1f1: {  	[hbm4b:s19+s3] =	stream.linear.scatter [tilespmem:s18], [sflag:$0x7], $0x80, $0x38;
	[tilespmem:$0x19E00] =	vst v63  }
0x1f2: {  	s18 =	sadd.s32 $0x15DB8, s14;
	s19 =	sadd.s32 $0x70, s15  }
0x1f3: {  	[hbm4b:s19+s3] =	stream.linear.scatter [tilespmem:s18], [sflag:$0x7], $0x80, $0x38;
	[tilespmem:$0x19E00] =	vst v63  }
0x1f4: {  	_ =	swait.ge [sflag:s26], $0x2000  }
0x1f5: {  	[sflag:s26] =	ssyncset.done $0x0  }
0x1f6: {  	s14 =	simm.s32 @!p1 $0x8;
	[sflag:s26] =	ssyncadd.s32 $0xFFFFE000  }
0x1f7: {  	_ =	swait.ge @!p1 [sflag:s14], $0x2000  }
0x1f8: {  	[sflag:s14] =	ssyncset.done @!p1 $0x0  }
0x1f9: {  	s12 =	sor.u32 $0x3, s12;
	s15 =	simm.s32 $0xF680;
	[sflag:s14] =	ssyncadd.s32 @!p1 $0xFFFFE000  }
0x1fa: {  	s16 =	sshll.u32 s12, $0x6;
	v4 =	vld [tilespmem:s15+$0x40]  }
0x1fb: {  	s17 =	simm.s32 $0x3;
	s14 =	sand.u32 $0x3FFFFFC0, s16  }
0x1fc: {  	v5 =	vmov s17;
	v10 =	vld [tilespmem:s14+$0x6400]  }
0x1fd: {  	v15 =	vand.u32 $0x7F, v5  }
0x1fe: {  	v9 =	vadd.s32 v0, v15;
	v8 =	vld [tilespmem:s15+$0xFFFFFF80]  }
0x1ff: {  	s18 =	simm.s32 $0x0;
	v11 =	vld [tilespmem:s15+$0xFFFFFFC0];
	v4 =	vmul.f32 $8.000000000e+00, v4  }
0x200: {  	s19 =	simm.s32 $0x1;
	v6 =	vmov s18;
	v12 =	vld [tilespmem:s15+$0x0]  }
0x201: {  	s17 =	simm.s32 $0x2;
	v14 =	vand.u32 $0x7C, v6;
	v6 =	vmov s19;
	v7 =	vld [tilespmem:s14+$0x6410];
	v13 =	vadd.f32 v4, v10  }
0x202: {  	v17 =	vmov s17;
	v16 =	vadd.s32 v0, v14;
	v30 =	vand.u32 $0x7D, v6;
	v5 =	vld [tilespmem:s14+$0x6420]  }
0x203: {  	v6 =	vand.u32 $0x7E, v17;
	v17 =	vadd.s32 v0, v30;
	v8 =	vmul.f32 $8.000000000e+00, v8;
	v4 =	vld [tilespmem:s14+$0x6430];
	[tilespmem:v9+s28+$0x0] =	vst.idx.msk $0xffff, v13  }
0x204: {  	v9 =	vmul.f32 $8.000000000e+00, v11;
	v11 =	vadd.s32 v0, v6;
	v13 =	vld [tilespmem:s15+$0x50]  }
0x205: {  	v12 =	vmul.f32 $8.000000000e+00, v12;
	v8 =	vadd.f32 v8, v10  }
0x206: {  	v9 =	vadd.f32 v9, v10  }
0x207: {  	[tilespmem:v16+s28+$0x0] =	vst.idx.msk $0xffff, v8;
	v8 =	vadd.f32 v12, v10  }
0x208: {  	v12 =	vld [tilespmem:s15+$0xFFFFFF90];
	[tilespmem:v17+s28+$0x0] =	vst.idx.msk $0xffff, v9;
	v9 =	vadd.s32 v1, v15  }
0x209: {  	v16 =	vld [tilespmem:s15+$0xFFFFFFD0];
	[tilespmem:v11+s28+$0x0] =	vst.idx.msk $0xffff, v8;
	v8 =	vmul.f32 $8.000000000e+00, v13  }
0x20a: {  	s14 =	simm.s32 $0xF780;
	v11 =	vld [tilespmem:s15+$0x10]  }
0x20b: {  	v19 =	vld [tilespmem:s14+$0x40];
	v8 =	vadd.f32 v8, v7  }
0x20c: {  	v26 =	vadd.s32 v2, v15;
	s18 =	simm.s32 $0x4;
	v13 =	vadd.s32 v1, v14  }
0x20d: {  	v18 =	vadd.s32 v1, v30;
	v17 =	vmov s18;
	v12 =	vmul.f32 $8.000000000e+00, v12;
	[tilespmem:v9+s28+$0x0] =	vst.idx.msk $0xffff, v8  }
0x20e: {  	s19 =	simm.s32 $0x7;
	v8 =	vand.u32 $0x7C, v17;
	v9 =	vmul.f32 $8.000000000e+00, v16;
	v16 =	vadd.s32 v1, v6;
	v17 =	vld [tilespmem:s15+$0x60]  }
0x20f: {  	v21 =	vmov s19;
	v20 =	vld [tilespmem:s14+$0xFFFFFF80];
	v12 =	vadd.f32 v12, v7;
	v11 =	vmul.f32 $8.000000000e+00, v11  }
0x210: {  	v24 =	vld [tilespmem:s14+$0xFFFFFFC0];
	v19 =	vmul.f32 $8.000000000e+00, v19;
	v23 =	vadd.f32 v9, v7;
	v9 =	vand.u32 $0x7F, v21  }
0x211: {  	s17 =	simm.s32 $0x5;
	[tilespmem:v13+s28+$0x0] =	vst.idx.msk $0xffff, v12;
	v12 =	vld [tilespmem:s14+$0x0];
	v11 =	vadd.f32 v11, v7;
	v25 =	vadd.s32 v0, v9  }
0x212: {  	s18 =	simm.s32 $0x6;
	v19 =	vadd.f32 v19, v10;
	v22 =	vadd.s32 v0, v8;
	v21 =	vmov s17;
	[tilespmem:v18+s28+$0x0] =	vst.idx.msk $0xffff, v23;
	v23 =	vld [tilespmem:s15+$0xFFFFFFA0]  }
0x213: {  	v13 =	vand.u32 $0x7D, v21;
	v18 =	vmov s18;
	[tilespmem:v16+s28+$0x0] =	vst.idx.msk $0xffff, v11;
	v16 =	vld [tilespmem:s15+$0xFFFFFFE0];
	v17 =	vmul.f32 $8.000000000e+00, v17  }
0x214: {  	v11 =	vand.u32 $0x7E, v18;
	v18 =	vmul.f32 $8.000000000e+00, v20;
	v20 =	vadd.s32 v0, v13;
	v21 =	vld [tilespmem:s15+$0x20]  }
0x215: {  	v24 =	vmul.f32 $8.000000000e+00, v24;
	v27 =	vadd.s32 v0, v11;
	v17 =	vadd.f32 v17, v5  }
0x216: {  	v12 =	vmul.f32 $8.000000000e+00, v12;
	v18 =	vadd.f32 v18, v10;
	[tilespmem:v25+s28+$0x0] =	vst.idx.msk $0xffff, v19;
	v19 =	vadd.s32 v2, v14  }
0x217: {  	v24 =	vadd.f32 v24, v10;
	v25 =	vld [tilespmem:s14+$0x50];
	v23 =	vmul.f32 $8.000000000e+00, v23;
	[tilespmem:v26+s28+$0x0] =	vst.idx.msk $0xffff, v17;
	v17 =	vadd.s32 v2, v30  }
0x218: {  	[tilespmem:v22+s28+$0x0] =	vst.idx.msk $0xffff, v18;
	v18 =	vadd.f32 v12, v10;
	v16 =	vmul.f32 $8.000000000e+00, v16;
	v26 =	vadd.s32 v2, v6;
	v22 =	vld [tilespmem:s15+$0x70]  }
0x219: {  	s16 =	simm.s32 $0x8;
	v28 =	vld [tilespmem:s14+$0xFFFFFF90];
	[tilespmem:v20+s28+$0x0] =	vst.idx.msk $0xffff, v24;
	v21 =	vmul.f32 $8.000000000e+00, v21;
	v23 =	vadd.f32 v23, v5  }
0x21a: {  	v31 =	vadd.s32 v1, v9;
	v12 =	vmov s16;
	v24 =	vld [tilespmem:s14+$0xFFFFFFD0];
	[tilespmem:v27+s28+$0x0] =	vst.idx.msk $0xffff, v18;
	v16 =	vadd.f32 v16, v5  }
0x21b: {  	s19 =	simm.s32 $0x9;
	v14 =	vadd.s32 v3, v14;
	v12 =	vand.u32 $0x7C, v12;
	v27 =	vld [tilespmem:s14+$0x10];
	v29 =	vadd.f32 v21, v5;
	[tilespmem:v19+s28+$0x0] =	vst.idx.msk $0xffff, v23  }
0x21c: {  	v20 =	vmov s19;
	v19 =	vadd.s32 v3, v15;
	v32 =	vmul.f32 $8.000000000e+00, v25;
	v21 =	vld [tilespmem:s15+$0xFFFFFFB0];
	[tilespmem:v17+s28+$0x0] =	vst.idx.msk $0xffff, v16  }
0x21d: {  	v18 =	vadd.s32 v0, v12;
	v25 =	vadd.s32 v1, v8;
	[tilespmem:v26+s28+$0x0] =	vst.idx.msk $0xffff, v29;
	v15 =	vmul.f32 $8.000000000e+00, v22;
	v17 =	vld [tilespmem:s15+$0xFFFFFFF0]  }
0x21e: {  	v23 =	vadd.s32 v1, v13;
	v28 =	vmul.f32 $8.000000000e+00, v28;
	v32 =	vadd.f32 v32, v7;
	v16 =	vld [tilespmem:s15+$0x30]  }
0x21f: {  	v26 =	vmul.f32 $8.000000000e+00, v24;
	v22 =	vadd.s32 v1, v11;
	s15 =	simm.s32 $0xF880;
	v24 =	vadd.f32 v15, v4  }
0x220: {  	s17 =	simm.s32 $0xC;
	v29 =	vld [tilespmem:s15+$0x40];
	v28 =	vadd.f32 v28, v7;
	v27 =	vmul.f32 $8.000000000e+00, v27;
	[tilespmem:v31+s28+$0x0] =	vst.idx.msk $0xffff, v32;
	v15 =	vadd.s32 v3, v30  }
.LBB2_15:
0x221: {  	p1 =	slt.u32 s17, $0x7C;
	s18 =	sadd.s32 $0x3, s16;
	v26 =	vadd.f32 v26, v7;
	v30 =	vld [tilespmem:s14+$0x60];
	v21 =	vmul.f32 $8.000000000e+00, v21;
	v31 =	vadd.s32 v3, v6;
	[tilespmem:v19+s28+$0x0] =	vst.idx.msk $0xffff, v24  }
0x222: {  	v32 =	vmovc v13;
	v6 =	vmovc v11;
	v19 =	vld [tilespmem:s15+$0xFFFFFF80];
	v24 =	vmov s18;
	[tilespmem:v25+s28+$0x0] =	vst.idx.msk $0xffff, v28;
	v25 =	vadd.f32 v27, v7;
	v17 =	vmul.f32 $8.000000000e+00, v17  }
0x223: {  	s18 =	sadd.s32 $0x2, s16;
	s16 =	smov.u32 s17;
	v27 =	vld [tilespmem:s15+$0xFFFFFFC0];
	v24 =	vand.u32 $0x7F, v24;
	[tilespmem:v23+s28+$0x0] =	vst.idx.msk $0xffff, v26;
	v11 =	vadd.f32 v21, v4;
	v13 =	vmul.f32 $8.000000000e+00, v16  }
0x224: {  	v16 =	vmov s18;
	v21 =	vld [tilespmem:s15+$0x0];
	v23 =	vadd.s32 v0, v24;
	[tilespmem:v22+s28+$0x0] =	vst.idx.msk $0xffff, v25;
	v17 =	vadd.f32 v17, v4  }
0x225: {  	v26 =	vadd.s32 v2, v9;
	v22 =	vmul.f32 $8.000000000e+00, v29;
	v25 =	vld [tilespmem:s14+$0xFFFFFFA0];
	[tilespmem:v14+s28+$0x0] =	vst.idx.msk $0xffff, v11;
	v14 =	vadd.f32 v13, v4  }
0x226: {  	v13 =	vand.u32 $0x7D, v20;
	v11 =	vand.u32 $0x7E, v16;
	v16 =	vld [tilespmem:s14+$0xFFFFFFE0];
	v20 =	vmul.f32 $8.000000000e+00, v30;
	[tilespmem:v15+s28+$0x0] =	vst.idx.msk $0xffff, v17  }
0x227: {  	v17 =	vadd.s32 v0, v13;
	v15 =	vmul.f32 $8.000000000e+00, v19;
	v19 =	vadd.f32 v22, v10;
	v22 =	vld [tilespmem:s14+$0x20];
	[tilespmem:v31+s28+$0x0] =	vst.idx.msk $0xffff, v14  }
0x228: {  	v14 =	vmul.f32 $8.000000000e+00, v27;
	v27 =	vadd.s32 v0, v11;
	v20 =	vadd.f32 v20, v5  }
0x229: {  	v15 =	vadd.f32 v15, v10;
	v21 =	vmul.f32 $8.000000000e+00, v21;
	[tilespmem:v23+s28+$0x0] =	vst.idx.msk $0xffff, v19;
	v19 =	vadd.s32 v2, v8  }
0x22a: {  	v28 =	vadd.s32 v2, v32;
	v14 =	vadd.f32 v14, v10;
	v23 =	vld [tilespmem:s15+$0x50];
	v25 =	vmul.f32 $8.000000000e+00, v25;
	[tilespmem:v26+s28+$0x0] =	vst.idx.msk $0xffff, v20  }
0x22b: {  	v26 =	vadd.s32 v2, v6;
	[tilespmem:v18+s28+$0x0] =	vst.idx.msk $0xffff, v15;
	v15 =	vadd.f32 v21, v10;
	v16 =	vmul.f32 $8.000000000e+00, v16;
	v29 =	vld [tilespmem:s14+$0x70]  }
0x22c: {  	v18 =	vmov s17;
	v30 =	vld [tilespmem:s15+$0xFFFFFF90];
	[tilespmem:v17+s28+$0x0] =	vst.idx.msk $0xffff, v14;
	v14 =	vadd.f32 v25, v5;
	v17 =	vmul.f32 $8.000000000e+00, v22  }
0x22d: {  	s18 =	sadd.s32 $0x1, s17;
	v31 =	vand.u32 $0x7C, v18;
	v22 =	vld [tilespmem:s15+$0xFFFFFFD0];
	[tilespmem:v27+s28+$0x0] =	vst.idx.msk $0xffff, v15;
	v15 =	vadd.f32 v16, v5  }
0x22e: {  	v33 =	vadd.s32 v1, v24;
	v20 =	vmov s18;
	v27 =	vld [tilespmem:s15+$0x10];
	[tilespmem:v19+s28+$0x0] =	vst.idx.msk $0xffff, v14;
	v16 =	vadd.f32 v17, v5  }
.Ltmp6:
0x22f: {  	v14 =	vadd.s32 v3, v8;
	v19 =	vadd.s32 v3, v9;
	v34 =	vmul.f32 $8.000000000e+00, v23;
	v21 =	vld [tilespmem:s14+$0xFFFFFFB0];
	[tilespmem:v28+s28+$0x0] =	vst.idx.msk $0xffff, v15;
	(pc) =	sbr.rel @p1 .LBB2_15-.Ltmp6, $4  }
0x230: {  	v25 =	vadd.s32 v1, v12;
	v18 =	vadd.s32 v0, v31;
	v17 =	vld [tilespmem:s14+$0xFFFFFFF0];
	[tilespmem:v26+s28+$0x0] =	vst.idx.msk $0xffff, v16;
	v15 =	vmul.f32 $8.000000000e+00, v29  }
0x231: {  	v9 =	vmovc v24;
	v8 =	vmovc v12;
	v23 =	vadd.s32 v1, v13;
	v28 =	vmul.f32 $8.000000000e+00, v30;
	v30 =	vadd.f32 v34, v7;
	v16 =	vld [tilespmem:s14+$0x30];
	s14 =	smov.u32 s15  }
0x232: {  	v12 =	vmovc v31;
	s15 =	sadd.s32 $0x100, s15;
	v26 =	vmul.f32 $8.000000000e+00, v22;
	v22 =	vadd.s32 v1, v11;
	v24 =	vadd.f32 v15, v4  }
0x233: {  	s17 =	sadd.s32 $0x4, s17;
	v15 =	vadd.s32 v3, v32;
	v29 =	vld [tilespmem:s15+$0x40];
	v28 =	vadd.f32 v28, v7;
	v27 =	vmul.f32 $8.000000000e+00, v27;
	[tilespmem:v33+s28+$0x0] =	vst.idx.msk $0xffff, v30  }
0x234: {  	s17 =	sadd.s32 $0x3, s16;
	v30 =	vld [tilespmem:s15+$0xFFFFFF80]  }
0x235: {  	v32 =	vld [tilespmem:s15+$0xFFFFFFC0];
	v31 =	vmov s17  }
0x236: {  	v33 =	vld [tilespmem:s15+$0x0];
	v31 =	vand.u32 $0x7F, v31  }
0x237: {  	s17 =	sadd.s32 $0x2, s16;
	v34 =	vadd.s32 v0, v31  }
0x238: {  	v20 =	vand.u32 $0x7D, v20;
	v35 =	vmov s17;
	v29 =	vmul.f32 $8.000000000e+00, v29  }
0x239: {  	v36 =	vadd.s32 v0, v20;
	v35 =	vand.u32 $0x7E, v35;
	v30 =	vmul.f32 $8.000000000e+00, v30  }
0x23a: {  	v37 =	vadd.s32 v0, v35;
	v32 =	vmul.f32 $8.000000000e+00, v32;
	v29 =	vadd.f32 v29, v10  }
0x23b: {  	v33 =	vmul.f32 $8.000000000e+00, v33;
	v30 =	vadd.f32 v30, v10  }
0x23c: {  	v58 =	vadd.f32 v32, v10;
	[tilespmem:v34+s28+$0x0] =	vst.idx.msk $0xffff, v29  }
0x23d: {  	v60 =	vadd.f32 v33, v10;
	[tilespmem:v18+s28+$0x0] =	vst.idx.msk $0xffff, v30;
	v59 =	vld [tilespmem:s15+$0x50]  }
0x23e: {  	[tilespmem:v36+s28+$0x0] =	vst.idx.msk $0xffff, v58;
	v30 =	vld [tilespmem:s15+$0xFFFFFF90]  }
0x23f: {  	[tilespmem:v37+s28+$0x0] =	vst.idx.msk $0xffff, v60;
	v29 =	vld [tilespmem:s15+$0xFFFFFFD0]  }
0x240: {  	v10 =	vld [tilespmem:s15+$0x10]  }
0x241: {  	v61 =	vadd.s32 v1, v31  }
0x242: {  	v26 =	vadd.f32 v26, v7;
	v62 =	vadd.s32 v1, v12;
	v18 =	vmul.f32 $8.000000000e+00, v59  }
0x243: {  	v63 =	vld [tilespmem:s14+$0x60];
	[tilespmem:v25+s28+$0x0] =	vst.idx.msk $0xffff, v28;
	v27 =	vadd.f32 v27, v7;
	v36 =	vadd.s32 v1, v20;
	v34 =	vmul.f32 $8.000000000e+00, v30  }
0x244: {  	[tilespmem:v23+s28+$0x0] =	vst.idx.msk $0xffff, v26;
	v39 =	vadd.s32 v1, v35;
	v37 =	vld [tilespmem:s14+$0xFFFFFFA0];
	v38 =	vmul.f32 $8.000000000e+00, v29;
	v18 =	vadd.f32 v18, v7  }
0x245: {  	[tilespmem:v22+s28+$0x0] =	vst.idx.msk $0xffff, v27;
	v40 =	vld [tilespmem:s14+$0xFFFFFFE0];
	v10 =	vmul.f32 $8.000000000e+00, v10;
	v41 =	vadd.f32 v34, v7  }
0x246: {  	v42 =	vld [tilespmem:s14+$0x20];
	v26 =	vadd.f32 v38, v7;
	[tilespmem:v61+s28+$0x0] =	vst.idx.msk $0xffff, v18  }
0x247: {  	v21 =	vmul.f32 $8.000000000e+00, v21;
	v43 =	vadd.s32 v2, v9;
	v44 =	vadd.f32 v10, v7;
	[tilespmem:v62+s28+$0x0] =	vst.idx.msk $0xffff, v41;
	v45 =	vld [tilespmem:s15+$0x60]  }
0x248: {  	v46 =	vadd.s32 v2, v8;
	v25 =	vmul.f32 $8.000000000e+00, v63;
	[tilespmem:v36+s28+$0x0] =	vst.idx.msk $0xffff, v26;
	v47 =	vld [tilespmem:s15+$0xFFFFFFA0]  }
0x249: {  	v48 =	vadd.s32 v2, v13;
	v21 =	vadd.f32 v21, v4;
	v23 =	vmul.f32 $8.000000000e+00, v37;
	[tilespmem:v39+s28+$0x0] =	vst.idx.msk $0xffff, v44;
	v49 =	vld [tilespmem:s15+$0xFFFFFFE0]  }
0x24a: {  	[tilespmem:v19+s28+$0x0] =	vst.idx.msk $0xffff, v24;
	v51 =	vadd.s32 v2, v11;
	v50 =	vadd.f32 v25, v5;
	v22 =	vmul.f32 $8.000000000e+00, v40;
	v52 =	vld [tilespmem:s15+$0x20]  }
0x24b: {  	v54 =	vadd.s32 v2, v31;
	[tilespmem:v14+s28+$0x0] =	vst.idx.msk $0xffff, v21;
	v53 =	vadd.f32 v23, v5;
	v18 =	vmul.f32 $8.000000000e+00, v42  }
0x24c: {  	v56 =	vadd.s32 v2, v12;
	[tilespmem:v43+s28+$0x0] =	vst.idx.msk $0xffff, v50;
	v55 =	vadd.f32 v22, v5;
	v10 =	vmul.f32 $8.000000000e+00, v45  }
0x24d: {  	v60 =	vadd.s32 v2, v20;
	v57 =	vld [tilespmem:s14+$0x70];
	[tilespmem:v46+s28+$0x0] =	vst.idx.msk $0xffff, v53;
	v58 =	vadd.f32 v18, v5;
	v59 =	vmul.f32 $8.000000000e+00, v47  }
0x24e: {  	v32 =	vadd.s32 v2, v35;
	[tilespmem:v48+s28+$0x0] =	vst.idx.msk $0xffff, v55;
	v61 =	vld [tilespmem:s14+$0xFFFFFFB0];
	v63 =	vmul.f32 $8.000000000e+00, v49;
	v62 =	vadd.f32 v10, v5  }
0x24f: {  	v33 =	vld [tilespmem:s14+$0xFFFFFFF0];
	[tilespmem:v51+s28+$0x0] =	vst.idx.msk $0xffff, v58;
	v36 =	vmul.f32 $8.000000000e+00, v52;
	v34 =	vadd.f32 v59, v5  }
0x250: {  	v6 =	vadd.s32 v3, v6;
	v17 =	vmul.f32 $8.000000000e+00, v17;
	v24 =	vld [tilespmem:s14+$0x30];
	v37 =	vadd.f32 v63, v5;
	[tilespmem:v54+s28+$0x0] =	vst.idx.msk $0xffff, v62  }
0x251: {  	v38 =	vmul.f32 $8.000000000e+00, v16;
	v39 =	vadd.s32 v3, v9;
	v5 =	vadd.f32 v36, v5;
	v40 =	vld [tilespmem:s15+$0x70];
	[tilespmem:v56+s28+$0x0] =	vst.idx.msk $0xffff, v34  }
0x252: {  	v43 =	vmul.f32 $8.000000000e+00, v57;
	v42 =	vadd.s32 v3, v8;
	v41 =	vadd.f32 v17, v4;
	[tilespmem:v60+s28+$0x0] =	vst.idx.msk $0xffff, v37;
	v44 =	vld [tilespmem:s15+$0xFFFFFFB0]  }
0x253: {  	v46 =	vadd.s32 v3, v13;
	v45 =	vadd.f32 v38, v4;
	v47 =	vmul.f32 $8.000000000e+00, v61;
	[tilespmem:v32+s28+$0x0] =	vst.idx.msk $0xffff, v5;
	v48 =	vld [tilespmem:s15+$0xFFFFFFF0]  }
0x254: {  	v50 =	vmul.f32 $8.000000000e+00, v33;
	[tilespmem:v15+s28+$0x0] =	vst.idx.msk $0xffff, v41;
	v49 =	vadd.s32 v3, v11;
	v5 =	vadd.f32 v43, v4;
	v51 =	vld [tilespmem:s15+$0x30]  }
0x255: {  	[tilespmem:v6+s28+$0x0] =	vst.idx.msk $0xffff, v45;
	v52 =	vadd.f32 v47, v4;
	v53 =	vmul.f32 $8.000000000e+00, v24;
	v54 =	vadd.s32 v3, v31  }
0x256: {  	v55 =	vadd.s32 v3, v12;
	[tilespmem:v39+s28+$0x0] =	vst.idx.msk $0xffff, v5;
	v5 =	vadd.f32 v50, v4;
	v56 =	vmul.f32 $8.000000000e+00, v40  }
0x257: {  	v58 =	vadd.s32 v3, v20;
	[tilespmem:v42+s28+$0x0] =	vst.idx.msk $0xffff, v52;
	v57 =	vadd.f32 v53, v4;
	v59 =	vmul.f32 $8.000000000e+00, v44  }
0x258: {  	v60 =	vadd.s32 v3, v35;
	[tilespmem:v46+s28+$0x0] =	vst.idx.msk $0xffff, v5;
	v61 =	vmul.f32 $8.000000000e+00, v48;
	v5 =	vadd.f32 v56, v4  }
0x259: {  	[tilespmem:v49+s28+$0x0] =	vst.idx.msk $0xffff, v57;
	v63 =	vmul.f32 $8.000000000e+00, v51;
	v62 =	vadd.f32 v59, v4  }
0x25a: {  	[tilespmem:v54+s28+$0x0] =	vst.idx.msk $0xffff, v5;
	v5 =	vadd.f32 v61, v4  }
0x25b: {  	v4 =	vadd.f32 v63, v4;
	[tilespmem:v55+s28+$0x0] =	vst.idx.msk $0xffff, v62  }
0x25c: {  	s10 =	sadd.s32 @!p0 $0x380, s10;
	s18 =	sshll.u32 s12, $0x12;
	[tilespmem:v58+s28+$0x0] =	vst.idx.msk $0xffff, v5  }
0x25d: {  	s10 =	sand.u32 @!p0 $0xFF80, s10;
	s14 =	simm.s32 @!p0 $0x80;
	s15 =	simm.s32 @!p0 $0xF600;
	[tilespmem:v60+s28+$0x0] =	vst.idx.msk $0xffff, v4  }
0x25e: {  	[tilespmem:s15], [sflag:$0x4] =	stream.indirect.gather @!p0 [hbm4b:s5+s14], $0x40, s10, s14, $0xb8;
	[tilespmem:$0x19E00] =	vst v63  }
0x25f: {  	s10 =	sor.u32 s4, s18  }
0x260: {  	s10 =	sshrl.u32 s10, $0x3  }
0x261: {  	s19 =	simm.s32 $0x17C00;
	s12 =	sadd.s32 s1, s10  }
0x262: {  	[hbm4b:s12+s3] =	stream.linear.scatter [tilespmem:s19], [sflag:$0x8], $0x80, $0x38;
	[tilespmem:$0x19E00] =	vst v63  }
0x263: {  	s14 =	simm.s32 $0x17C88;
	s15 =	sadd.s32 $0x10, s12  }
0x264: {  	[hbm4b:s15+s3] =	stream.linear.scatter [tilespmem:s14], [sflag:$0x8], $0x80, $0x38;
	[tilespmem:$0x19E00] =	vst v63  }
0x265: {  	s16 =	simm.s32 $0x17D10;
	s18 =	simm.s32 $0x17D98;
	s17 =	sadd.s32 $0x20, s12  }
0x266: {  	[hbm4b:s17+s3] =	stream.linear.scatter [tilespmem:s16], [sflag:$0x8], $0x80, $0x38;
	[tilespmem:$0x19E00] =	vst v63  }
0x267: {  	s10 =	simm.s32 $0x440;
	s19 =	sadd.s32 $0x30, s12;
	s14 =	simm.s32 $0x17E20  }
0x268: {  	[hbm4b:s19+s3] =	stream.linear.scatter [tilespmem:s18], [sflag:$0x8], $0x80, $0x38;
	[tilespmem:$0x19E00] =	vst v63  }
0x269: {  	s15 =	sadd.s32 $0x40, s12;
	s16 =	simm.s32 $0x17EA8;
	s17 =	sadd.s32 $0x50, s12  }
0x26a: {  	[hbm4b:s15+s3] =	stream.linear.scatter [tilespmem:s14], [sflag:$0x8], $0x80, $0x38;
	[tilespmem:$0x19E00] =	vst v63  }
0x26b: {  	s18 =	simm.s32 $0x17F30;
	s19 =	sadd.s32 $0x60, s12;
	s14 =	simm.s32 $0x2200  }
0x26c: {  	[hbm4b:s17+s3] =	stream.linear.scatter [tilespmem:s16], [sflag:$0x8], $0x80, $0x38;
	[tilespmem:$0x19E00] =	vst v63  }
0x26d: {  	s15 =	simm.s32 $0x17FB8;
	s16 =	sadd.s32 $0x70, s12;
	s12 =	sadd.s32 $0x1000, s12  }
0x26e: {  	[hbm4b:s19+s3] =	stream.linear.scatter [tilespmem:s18], [sflag:$0x8], $0x80, $0x38;
	[tilespmem:$0x19E00] =	vst v63  }
.LBB2_17:
0x26f: {  	[hbm4b:s16+s3] =	stream.linear.scatter [tilespmem:s15], [sflag:$0x8], $0x80, $0x38;
	[tilespmem:$0x19E00] =	vst v63  }
0x270: {  	s15 =	smov.u32 s10;
	s10 =	smov.u32 s14  }
0x271: {  	s17 =	sadd.s32 $0x1100, s14;
	s10 =	sshra.s32 s10, $0x2;
	s16 =	sadd.s32 $0x17C00, s15  }
0x272: {  	[hbm4b:s12+s3] =	stream.linear.scatter [tilespmem:s16], [sflag:$0x8], $0x80, $0x38;
	[tilespmem:$0x19E00] =	vst v63  }
0x273: {  	p0 =	sne.s32 s14, $0x7700;
	s14 =	sadd.s32 $0x17C88, s15;
	s16 =	sadd.s32 $0x10, s12  }
0x274: {  	[hbm4b:s16+s3] =	stream.linear.scatter [tilespmem:s14], [sflag:$0x8], $0x80, $0x38;
	[tilespmem:$0x19E00] =	vst v63  }
0x275: {  	s14 =	sadd.s32 $0x17D10, s15;
	s16 =	sadd.s32 $0x20, s12  }
0x276: {  	[hbm4b:s16+s3] =	stream.linear.scatter [tilespmem:s14], [sflag:$0x8], $0x80, $0x38;
	[tilespmem:$0x19E00] =	vst v63  }
0x277: {  	s14 =	sadd.s32 $0x17D98, s15;
	s16 =	sadd.s32 $0x30, s12  }
0x278: {  	[hbm4b:s16+s3] =	stream.linear.scatter [tilespmem:s14], [sflag:$0x8], $0x80, $0x38;
	[tilespmem:$0x19E00] =	vst v63  }
0x279: {  	s14 =	sadd.s32 $0x17E20, s15;
	s16 =	sadd.s32 $0x40, s12  }
0x27a: {  	[hbm4b:s16+s3] =	stream.linear.scatter [tilespmem:s14], [sflag:$0x8], $0x80, $0x38;
	[tilespmem:$0x19E00] =	vst v63  }
.Ltmp7:
0x27b: {  	s14 =	sadd.s32 $0x17EA8, s15;
	s16 =	sadd.s32 $0x50, s12;
	(pc) =	sbr.rel @p0 .LBB2_17-.Ltmp7, $4  }
0x27c: {  	[hbm4b:s16+s3] =	stream.linear.scatter [tilespmem:s14], [sflag:$0x8], $0x80, $0x38;
	[tilespmem:$0x19E00] =	vst v63  }
0x27d: {  	s14 =	sadd.s32 $0x17F30, s15;
	s16 =	sadd.s32 $0x60, s12;
	s15 =	sadd.s32 $0x17FB8, s15  }
0x27e: {  	[hbm4b:s16+s3] =	stream.linear.scatter [tilespmem:s14], [sflag:$0x8], $0x80, $0x38;
	[tilespmem:$0x19E00] =	vst v63  }
0x27f: {  	s16 =	sadd.s32 $0x70, s12;
	s12 =	sadd.s32 $0x1000, s12;
	s14 =	smov.u32 s17  }
0x280: {  	[hbm4b:s16+s3] =	stream.linear.scatter [tilespmem:s15], [sflag:$0x8], $0x80, $0x38;
	[tilespmem:$0x19E00] =	vst v63  }
0x281: {  	s14 =	sadd.s32 $0x17C00, s10  }
0x282: {  	[hbm4b:s12+s3] =	stream.linear.scatter [tilespmem:s14], [sflag:$0x8], $0x80, $0x38;
	[tilespmem:$0x19E00] =	vst v63  }
0x283: {  	s18 =	sadd.s32 $0x17C88, s10;
	s19 =	sadd.s32 $0x10, s12  }
0x284: {  	[hbm4b:s19+s3] =	stream.linear.scatter [tilespmem:s18], [sflag:$0x8], $0x80, $0x38;
	[tilespmem:$0x19E00] =	vst v63  }
0x285: {  	s16 =	sadd.s32 $0x17D10, s10;
	s17 =	sadd.s32 $0x20, s12  }
0x286: {  	[hbm4b:s17+s3] =	stream.linear.scatter [tilespmem:s16], [sflag:$0x8], $0x80, $0x38;
	[tilespmem:$0x19E00] =	vst v63  }
0x287: {  	s18 =	sadd.s32 $0x17D98, s10;
	s19 =	sadd.s32 $0x30, s12  }
0x288: {  	[hbm4b:s19+s3] =	stream.linear.scatter [tilespmem:s18], [sflag:$0x8], $0x80, $0x38;
	[tilespmem:$0x19E00] =	vst v63  }
0x289: {  	s9 =	sadd.s32 $0x1, s9;
	s16 =	sadd.s32 $0x17E20, s10;
	s17 =	sadd.s32 $0x40, s12  }
0x28a: {  	[hbm4b:s17+s3] =	stream.linear.scatter [tilespmem:s16], [sflag:$0x8], $0x80, $0x38;
	[tilespmem:$0x19E00] =	vst v63  }
0x28b: {  	p0 =	sne.s32 s9, $0x32;
	s18 =	sadd.s32 $0x17EA8, s10;
	s19 =	sadd.s32 $0x50, s12  }
0x28c: {  	[hbm4b:s19+s3] =	stream.linear.scatter [tilespmem:s18], [sflag:$0x8], $0x80, $0x38;
	[tilespmem:$0x19E00] =	vst v63  }
.Ltmp8:
0x28d: {  	_ = 	snop;
	(pc) =	sbr.rel @p0 .LBB2_2-.Ltmp8, $4  }
0x28e: {  	s16 =	sadd.s32 $0x17F30, s10;
	s17 =	sadd.s32 $0x60, s12  }
0x28f: {  	[hbm4b:s17+s3] =	stream.linear.scatter [tilespmem:s16], [sflag:$0x8], $0x80, $0x38;
	[tilespmem:$0x19E00] =	vst v63  }
0x290: {  	s18 =	sadd.s32 $0x17FB8, s10;
	s19 =	sadd.s32 $0x70, s12  }
0x291: {  	[hbm4b:s19+s3] =	stream.linear.scatter [tilespmem:s18], [sflag:$0x8], $0x80, $0x38;
	[tilespmem:$0x19E00] =	vst v63  }
0x292: {  	_ =	swait.ge [sflag:s29], $0x2000  }
0x293: {  	[sflag:s29] =	ssyncset.done $0x0  }
0x294: {  	[sflag:s29] =	ssyncadd.s32 $0xFFFFE000  }
0x295: {  	_ =	swait.ge [sflag:s30], $0x2000  }
0x296: {  	[sflag:s30] =	ssyncset.done $0x0  }
0x297: {  	s2 =	sadd.s32 $0x1, s2;
	[sflag:s30] =	ssyncadd.s32 $0xFFFFE000  }
0x298: {  	p0 =	sne.s32 s2, s8;
	_ =	swait.ge [sflag:s31], $0x2000  }
.Ltmp9:
0x299: {  	[sflag:s31] =	ssyncset.done $0x0;
	(pc) =	sbr.rel @p0 .LBB2_1-.Ltmp9, $4  }
0x29a: {  	[sflag:s31] =	ssyncadd.s32 $0xFFFFE000  }
0x29b: {  	_ =	swait.ge [sflag:s0], $0x2000  }
0x29c: {  	[sflag:s0] =	ssyncset.done $0x0  }
0x29d: {  	[sflag:s0] =	ssyncadd.s32 $0xFFFFE000  }
0x29e: {  	_ =	sfence.sel $0x180000  }
0x29f: {  	[bflag:$0x0] =	sbarrier.arrive $0xFFFF  }
0x2a0: {  	_ =	strace $0x90000047  }
0x2a1: {  	s0 =	stileid.u32;
	[bflag:$0x2] =	sbarrier.arrive $0xFFFF  }
0x2a2: {  	p0 =	sne.s32 s0, $0x0;
	s0 =	rddreg [dreg:$0x3]  }
0x2a3: {  	s0 =	sadd.s32 @!p0 $0x100000, s0  }
0x2a4: {  	[sflag:s0] =	ssyncadd.tile.s32 @!p0 $0x1;
	_ =	shalt  }
.Lfunc_end2:
_tile_overlayer_lowered:
.L_overlay_start_2:
0x2a5: {  	(tag) =	ssettag $0x2  }
0x2a6: {  	s0 =	rddreg [dreg:$0x0];
	s2 =	stileid.u32  }
0x2a7: {  	s1 =	rddreg [dreg:$0x1];
	p0 =	sne.s32 s2, $0x0  }
0x2a8: {  	s3 =	rddreg [dreg:$0x2];
	[bflag:$0x3] =	sbarrier.arrive $0xFFFF;
	s2 =	simm.s32 @!p0 $0x1C09  }
0x2a9: {  	[timem:s3], [sflag:s2] =	dma.local @!p0 [hbm:s0], s1  }
0x2aa: {  	s0 =	simm.s32 @!p0 $0x9  }
0x2ab: {  	_ =	swait.ge @!p0 [sflag:s0], s1  }
0x2ac: {  	s1 =	ssub.s32 @!p0 $0x0, s1;
	[sflag:s0] =	ssyncset.done @!p0 $0x0  }
0x2ad: {  	[sflag:s0] =	ssyncadd.s32 @!p0 s1  }
0x2ae: {  	[bflag:$0x3] =	sbarrier.arrive $0xFFFF  }
0x2af: {  	_ =	shalt  }

</sc_bundles>
